<compile_context>
chip_gen: v7x
topology: tpu7x:2x2x1
jax: 0.10.2.dev20260603
libtpu: 0.0.44.dev20260713+nightly
codegen_flags: <defaults>
</compile_context>

<pallas_src>
import functools

import jax
import jax.numpy as jnp
from jax import lax
from jax.experimental import pallas as pl
from jax.experimental.pallas import tpu as pltpu
from jax.experimental.pallas import tpu_sc as plsc

E = 64
D = 768
H = 768
OUT = 768
T = 2048
CAP = 40
NSLOT = E * CAP
NTRASH = 80
NSLOT_PAD = NSLOT + NTRASH
NC = 2
NS = 16
NW = NC * NS
TOK_PER_W = T // NW
SLOT_PER_W = NSLOT // NW
LANES = 16



def _gate_body(p_ref, wr_ref, wc_ref, sel_ref, slot_ref, aux_ref):
    probs = p_ref[...]
    wr = wr_ref[...]
    wc = wc_ref[...]
    sel = sel_ref[...]
    col = lax.broadcasted_iota(jnp.int32, (T, E), 1)
    onehot = (col == sel).astype(jnp.float32)

    r_iota = lax.broadcasted_iota(jnp.int32, (T, T), 0)
    c_iota = lax.broadcasted_iota(jnp.int32, (T, T), 1)
    prec = (wc > wr) | ((wc == wr) & (c_iota < r_iota))
    pmat = prec.astype(jnp.bfloat16)
    cmat = jnp.dot(pmat, onehot.astype(jnp.bfloat16),
                   preferred_element_type=jnp.float32)
    rank = jnp.sum(onehot * cmat, axis=-1, keepdims=True).astype(jnp.int32)

    tok = lax.broadcasted_iota(jnp.int32, (T, 1), 0)
    trash = NSLOT + (tok & (TOK_PER_W - 1))
    slot_ref[...] = jnp.where(rank < CAP, sel * CAP + rank, trash)

    counts = jnp.sum(onehot, axis=0, keepdims=True)
    importance = jnp.sum(probs, axis=0, keepdims=True)
    avg_prob = importance / T
    balance = E * jnp.sum(avg_prob * (counts / T))
    mean_imp = jnp.sum(importance) / E
    var = jnp.sum((importance - mean_imp) ** 2) / (E - 1)
    cv = jnp.sqrt(var) / (mean_imp + 1e-10)
    aux_ref[...] = jnp.full((1, 1), balance + 0.01 * cv, jnp.float32)


_gate = pl.pallas_call(
    _gate_body,
    out_shape=[
        jax.ShapeDtypeStruct((T, 1), jnp.int32),
        jax.ShapeDtypeStruct((1, 1), jnp.float32),
    ],
)



def _wid():
    return lax.axis_index("s") * NC + lax.axis_index("c")


def _sc_scatter_in_body(slot_hbm, flat_hbm, out_hbm, idx_v, rows_v, sem):
    base = _wid() * TOK_PER_W
    pltpu.sync_copy(slot_hbm.at[pl.ds(base, TOK_PER_W)], idx_v)
    pltpu.sync_copy(flat_hbm.at[pl.ds(base, TOK_PER_W)], rows_v)
    pltpu.async_copy(rows_v, out_hbm.at[idx_v], sem).wait()


def _sc_combine_body(slot_hbm, eout_hbm, flat_hbm, out_hbm,
                     idx_v, rows_v, res_v, sem):
    base = _wid() * TOK_PER_W
    pltpu.sync_copy(slot_hbm.at[pl.ds(base, TOK_PER_W)], idx_v)
    pltpu.sync_copy(flat_hbm.at[pl.ds(base, TOK_PER_W)], res_v)
    pltpu.async_copy(eout_hbm.at[idx_v], rows_v, sem).wait()

    def row_add(r, carry):
        for j in range(OUT // LANES):
            sl = pl.ds(j * LANES, LANES)
            res_v[r, sl] = res_v[r, sl] + rows_v[r, sl]
        return carry

    lax.fori_loop(0, TOK_PER_W, row_add, 0)
    pltpu.sync_copy(res_v, out_hbm.at[0, pl.ds(base, TOK_PER_W)])


@functools.lru_cache(maxsize=None)
def _sc_kernels():
    mesh = plsc.VectorSubcoreMesh(
        core_axis_name="c", subcore_axis_name="s", num_cores=NC)
    scatter_in = pl.kernel(
        _sc_scatter_in_body,
        mesh=mesh,
        out_type=jax.ShapeDtypeStruct((NSLOT_PAD, D), jnp.float32),
        scratch_types=[
            pltpu.VMEM((TOK_PER_W,), jnp.int32),
            pltpu.VMEM((TOK_PER_W, D), jnp.float32),
            pltpu.SemaphoreType.DMA,
        ],
    )
    combine = pl.kernel(
        _sc_combine_body,
        mesh=mesh,
        out_type=jax.ShapeDtypeStruct((1, T, OUT), jnp.float32),
        scratch_types=[
            pltpu.VMEM((TOK_PER_W,), jnp.int32),
            pltpu.VMEM((TOK_PER_W, OUT), jnp.float32),
            pltpu.VMEM((TOK_PER_W, OUT), jnp.float32),
            pltpu.SemaphoreType.DMA,
        ],
    )
    return scatter_in, combine



def _ffn_body(x_ref, w1_ref, b1_ref, w2_ref, b2_ref, o_ref):
    e = pl.program_id(0)

    @pl.when(e < E)
    def _():
        h = jnp.dot(x_ref[...], w1_ref[0], preferred_element_type=jnp.float32)
        h = jnp.maximum(h + b1_ref[0], 0.0)
        o_ref[...] = (
            jnp.dot(h, w2_ref[0], preferred_element_type=jnp.float32)
            + b2_ref[0])

    @pl.when(e >= E)
    def _():
        o_ref[...] = jnp.zeros((CAP, OUT), jnp.float32)


def _emap(e):
    return jnp.minimum(e, E - 1)


_ffn = pl.pallas_call(
    _ffn_body,
    grid=(NSLOT_PAD // CAP,),
    in_specs=[
        pl.BlockSpec((CAP, D), lambda e: (_emap(e), 0)),
        pl.BlockSpec((1, D, H), lambda e: (_emap(e), 0, 0)),
        pl.BlockSpec((1, 1, H), lambda e: (_emap(e), 0, 0)),
        pl.BlockSpec((1, H, OUT), lambda e: (_emap(e), 0, 0)),
        pl.BlockSpec((1, 1, OUT), lambda e: (_emap(e), 0, 0)),
    ],
    out_specs=pl.BlockSpec((CAP, OUT), lambda e: (e, 0)),
    out_shape=jax.ShapeDtypeStruct((NSLOT_PAD, OUT), jnp.float32),
)



def kernel(x, gate_W, gate_b, temperature, W1, b1, W2, b2):
    B, S, _ = x.shape
    flat = x.reshape(T, D)
    logits = flat @ gate_W + gate_b
    logits = logits / jnp.abs(temperature)
    probs = jax.nn.softmax(logits.astype(jnp.float32), axis=-1)
    w = jnp.max(probs, axis=-1, keepdims=True)
    sel = jnp.argmax(probs, axis=-1).astype(jnp.int32)[:, None]
    wn = w / jnp.sum(w, axis=-1, keepdims=True)
    slot2d, aux2d = _gate(probs, wn, wn.reshape(1, T), sel)
    slots = slot2d.reshape(T)
    sc_scatter_in, sc_combine = _sc_kernels()
    expert_in = sc_scatter_in(slots, flat)
    expert_out = _ffn(
        expert_in, W1, b1.reshape(E, 1, H), W2, b2.reshape(E, 1, OUT))
    out = sc_combine(slots, expert_out, flat)
    return out, aux2d.reshape(())

# --- scband reference (transcript-rebuilt; emitter-appended) ---
"""Pipeline reference for scband-sparse-moe-75161927680704 (READ-ONLY COPY).

The authoritative reference and input builder live on the scoring server;
editing this copy changes nothing except your own understanding.
"""

import jax, jax.numpy as jnp
import numpy as np

E = 64
TOP_K = 1
D_MODEL = 768
HIDDEN = 768
OUT = 768
CAP_FACTOR = 1.25

def setup_inputs(seed: int = 0):
    key = jax.random.key(seed)
    ks = jax.random.split(key, 8)
    s = 1.0 / np.sqrt(D_MODEL)
    sh = 1.0 / np.sqrt(HIDDEN)
    x = jax.random.normal(ks[0], (1, 2048, D_MODEL), dtype=jnp.float32)
    gate_W = jax.random.uniform(ks[1], (D_MODEL, E), jnp.float32, -s, s)
    gate_b = jax.random.uniform(ks[2], (E,), jnp.float32, -s, s)
    temperature = jnp.ones((1,), jnp.float32) * 0.5
    W1 = jax.random.uniform(ks[3], (E, D_MODEL, HIDDEN), jnp.float32, -s, s)
    b1 = jax.random.uniform(ks[4], (E, HIDDEN), jnp.float32, -s, s)
    W2 = jax.random.uniform(ks[5], (E, HIDDEN, OUT), jnp.float32, -sh, sh)
    b2 = jax.random.uniform(ks[6], (E, OUT), jnp.float32, -sh, sh)
    return {"x": x, "gate_W": gate_W, "gate_b": gate_b, "temperature": temperature, "W1": W1, "b1": b1, "W2": W2, "b2": b2}

def reference(x, gate_W, gate_b, temperature, W1, b1, W2, b2):
    B, S, D = x.shape
    flat = x.reshape(-1, D)
    T = flat.shape[0]
    logits = flat @ gate_W + gate_b
    logits = logits / jnp.abs(temperature)
    probs = jax.nn.softmax(logits.astype(jnp.float32), axis=-1)
    w, sel = jax.lax.top_k(probs, TOP_K)
    w = w / jnp.sum(w, axis=-1, keepdims=True)
    capacity = int(CAP_FACTOR * T * TOP_K / E)
    acc = jnp.zeros((T, OUT), dtype=flat.dtype)
    for e in range(E):
        mask = (sel == e)
        w_e = jnp.sum(jnp.where(mask, w, 0.0), axis=-1)
        has = jnp.any(mask, axis=-1)
        score = jnp.where(has, w_e, -1.0)
        _, top_idx = jax.lax.top_k(score, capacity)
        valid = has[top_idx].astype(flat.dtype)
        w_sel = w_e[top_idx] * valid
        expert_in = flat[top_idx]
        h = jax.nn.relu(expert_in @ W1[e] + b1[e])
        out_e = h @ W2[e] + b2[e]
        acc = acc.at[top_idx].add(out_e * w_sel[:, None])
    output = (acc + flat).reshape(B, S, OUT)
    rp = jax.nn.softmax(logits, axis=-1)
    avg_prob = jnp.mean(rp, axis=0)
    expert_mask = jnp.sum(jax.nn.one_hot(sel, E), axis=1)
    avg_usage = jnp.mean(expert_mask, axis=0)
    balance = E * jnp.sum(avg_prob * avg_usage)
    importance = jnp.sum(rp, axis=0)
    cv = jnp.std(importance, ddof=1) / (jnp.mean(importance) + 1e-10)
    aux = balance + 0.01 * cv
    return output, aux

if __name__ == "__main__":
    import jax
    _d = setup_inputs()
    print(jax.jit(kernel)(*tuple(_d.values())))

</pallas_src>

<mosaic_0001>
#map = affine_map<(d0, d1) -> (0)>
#map1 = affine_map<(d0, d1) -> (0, 0)>
module attributes {stable_mosaic.version = 14 : i64} {
  func.func @_sc_scatter_in_body(%arg0: i32, %arg1: i32, %arg2: memref<2048xi32, #tpu.memory_space<hbm>>, %arg3: memref<2048x768xf32, #tpu.memory_space<hbm>>, %arg4: memref<2640x768xf32, #tpu.memory_space<hbm>>, %arg5: memref<64xi32, #tpu.memory_space<vmem>>, %arg6: memref<64x768xf32, #tpu.memory_space<vmem>>, %arg7: memref<!tpu.dma_semaphore, #tpu.memory_space<semaphore_mem>>) attributes {dimension_semantics = [#tpu.dimension_semantics<core_parallel>, #tpu.dimension_semantics<subcore_parallel>], iteration_bounds = array<i64: 2, 16>, scalar_prefetch = 0 : i64, scratch_operands = 3 : i64, tpu.core_type = #tpu.core_type<sc_vector_subcore>, window_params = [{transform_indices = #map}, {transform_indices = #map1}, {transform_indices = #map1}]} {
    %mul3A = arith.constant 2 : i32
    %mul3A_0 = arith.muli %arg1, %mul3A : i32
    %add3A = arith.addi %mul3A_0, %arg0 : i32
    %mul3A_1 = arith.constant 64 : i32
    %mul3A_2 = arith.muli %add3A, %mul3A_1 : i32
    "tpu.region"() ({
      %run_scoped3A = tpu.sem_alloc : memref<!tpu.dma_semaphore, #tpu.memory_space<semaphore_mem>>
      %dma_start3A_7 = tpu.memref_slice %arg2[%mul3A_2] : memref<2048xi32, #tpu.memory_space<hbm>> -> memref<64xi32, #tpu.memory_space<hbm>>
      %dma_start3A_8 = tpu.memref_slice %arg2[%mul3A_2] : memref<2048xi32, #tpu.memory_space<hbm>> -> memref<64xi32, #tpu.memory_space<hbm>>
      tpu.enqueue_dma source(%dma_start3A_8 : memref<64xi32, #tpu.memory_space<hbm>>) target(%arg5 : memref<64xi32, #tpu.memory_space<vmem>>) target_semaphore(%run_scoped3A : memref<!tpu.dma_semaphore, #tpu.memory_space<semaphore_mem>>)
      %dma_wait3A_9 = tpu.memref_slice %arg2[%mul3A_2] : memref<2048xi32, #tpu.memory_space<hbm>> -> memref<64xi32, #tpu.memory_space<hbm>>
      %dma_wait3A_10 = tpu.memref_slice %arg2[%mul3A_2] : memref<2048xi32, #tpu.memory_space<hbm>> -> memref<64xi32, #tpu.memory_space<hbm>>
      tpu.wait_dma2 semaphore(%run_scoped3A : memref<!tpu.dma_semaphore, #tpu.memory_space<semaphore_mem>>) src(%dma_wait3A_10 : memref<64xi32, #tpu.memory_space<hbm>>) dst(%arg5 : memref<64xi32, #tpu.memory_space<vmem>>)
      tpu.yield
    }) : () -> ()
    "tpu.region"() ({
      %run_scoped3A = tpu.sem_alloc : memref<!tpu.dma_semaphore, #tpu.memory_space<semaphore_mem>>
      %dma_start3A_7 = arith.constant 0 : i32
      %dma_start3A_8 = tpu.memref_slice %arg3[%mul3A_2, %dma_start3A_7] : memref<2048x768xf32, #tpu.memory_space<hbm>> -> memref<64x768xf32, #tpu.memory_space<hbm>>
      %dma_start3A_9 = arith.constant 0 : i32
      %dma_start3A_10 = tpu.memref_slice %arg3[%mul3A_2, %dma_start3A_9] : memref<2048x768xf32, #tpu.memory_space<hbm>> -> memref<64x768xf32, #tpu.memory_space<hbm>>
      tpu.enqueue_dma source(%dma_start3A_10 : memref<64x768xf32, #tpu.memory_space<hbm>>) target(%arg6 : memref<64x768xf32, #tpu.memory_space<vmem>>) target_semaphore(%run_scoped3A : memref<!tpu.dma_semaphore, #tpu.memory_space<semaphore_mem>>)
      %dma_wait3A_11 = arith.constant 0 : i32
      %dma_wait3A_12 = tpu.memref_slice %arg3[%mul3A_2, %dma_wait3A_11] : memref<2048x768xf32, #tpu.memory_space<hbm>> -> memref<64x768xf32, #tpu.memory_space<hbm>>
      %dma_wait3A_13 = arith.constant 0 : i32
      %dma_wait3A_14 = tpu.memref_slice %arg3[%mul3A_2, %dma_wait3A_13] : memref<2048x768xf32, #tpu.memory_space<hbm>> -> memref<64x768xf32, #tpu.memory_space<hbm>>
      tpu.wait_dma2 semaphore(%run_scoped3A : memref<!tpu.dma_semaphore, #tpu.memory_space<semaphore_mem>>) src(%dma_wait3A_14 : memref<64x768xf32, #tpu.memory_space<hbm>>) dst(%arg6 : memref<64x768xf32, #tpu.memory_space<vmem>>)
      tpu.yield
    }) : () -> ()
    %dma_start3A = arith.constant 0 : i32
    %dma_start3A_3 = arith.constant 0 : i32
    %dma_start3A_4 = tpu.memref_slice %arg4[%dma_start3A, %dma_start3A_3] : memref<2640x768xf32, #tpu.memory_space<hbm>> -> memref<2640x768xf32, #tpu.memory_space<hbm>>
    tpu.enqueue_indirect_dma source(%arg6 : memref<64x768xf32, #tpu.memory_space<vmem>>) target(%dma_start3A_4 : memref<2640x768xf32, #tpu.memory_space<hbm>>) offsets(%arg5 : memref<64xi32, #tpu.memory_space<vmem>>) semaphore(%arg7 : memref<!tpu.dma_semaphore, #tpu.memory_space<semaphore_mem>>)
    %dma_wait3A = arith.constant 0 : i32
    %dma_wait3A_5 = arith.constant 0 : i32
    %dma_wait3A_6 = tpu.memref_slice %arg4[%dma_wait3A, %dma_wait3A_5] : memref<2640x768xf32, #tpu.memory_space<hbm>> -> memref<2640x768xf32, #tpu.memory_space<hbm>>
    tpu.wait_indirect_dma semaphore(%arg7 : memref<!tpu.dma_semaphore, #tpu.memory_space<semaphore_mem>>) src(%arg6 : memref<64x768xf32, #tpu.memory_space<vmem>>) dst(%dma_wait3A_6 : memref<2640x768xf32, #tpu.memory_space<hbm>>)
    return
  }
}

#map = affine_map<(d0, d1) -> (0)>
#map1 = affine_map<(d0, d1) -> (0, 0)>
#map2 = affine_map<(d0, d1) -> (0, 0, 0)>
module attributes {stable_mosaic.version = 14 : i64} {
  func.func @_sc_combine_body(%arg0: i32, %arg1: i32, %arg2: memref<2048xi32, #tpu.memory_space<hbm>>, %arg3: memref<2640x768xf32, #tpu.memory_space<hbm>>, %arg4: memref<2048x768xf32, #tpu.memory_space<hbm>>, %arg5: memref<1x2048x768xf32, #tpu.memory_space<hbm>>, %arg6: memref<64xi32, #tpu.memory_space<vmem>>, %arg7: memref<64x768xf32, #tpu.memory_space<vmem>>, %arg8: memref<64x768xf32, #tpu.memory_space<vmem>>, %arg9: memref<!tpu.dma_semaphore, #tpu.memory_space<semaphore_mem>>) attributes {dimension_semantics = [#tpu.dimension_semantics<core_parallel>, #tpu.dimension_semantics<subcore_parallel>], iteration_bounds = array<i64: 2, 16>, scalar_prefetch = 0 : i64, scratch_operands = 4 : i64, tpu.core_type = #tpu.core_type<sc_vector_subcore>, window_params = [{transform_indices = #map}, {transform_indices = #map1}, {transform_indices = #map1}, {transform_indices = #map2}]} {
    %mul3A = arith.constant 2 : i32
    %mul3A_0 = arith.muli %arg1, %mul3A : i32
    %add3A = arith.addi %mul3A_0, %arg0 : i32
    %mul3A_1 = arith.constant 64 : i32
    %mul3A_2 = arith.muli %add3A, %mul3A_1 : i32
    "tpu.region"() ({
      %run_scoped3A_12 = tpu.sem_alloc : memref<!tpu.dma_semaphore, #tpu.memory_space<semaphore_mem>>
      %dma_start3A_13 = tpu.memref_slice %arg2[%mul3A_2] : memref<2048xi32, #tpu.memory_space<hbm>> -> memref<64xi32, #tpu.memory_space<hbm>>
      %dma_start3A_14 = tpu.memref_slice %arg2[%mul3A_2] : memref<2048xi32, #tpu.memory_space<hbm>> -> memref<64xi32, #tpu.memory_space<hbm>>
      tpu.enqueue_dma source(%dma_start3A_14 : memref<64xi32, #tpu.memory_space<hbm>>) target(%arg6 : memref<64xi32, #tpu.memory_space<vmem>>) target_semaphore(%run_scoped3A_12 : memref<!tpu.dma_semaphore, #tpu.memory_space<semaphore_mem>>)
      %dma_wait3A_15 = tpu.memref_slice %arg2[%mul3A_2] : memref<2048xi32, #tpu.memory_space<hbm>> -> memref<64xi32, #tpu.memory_space<hbm>>
      %dma_wait3A_16 = tpu.memref_slice %arg2[%mul3A_2] : memref<2048xi32, #tpu.memory_space<hbm>> -> memref<64xi32, #tpu.memory_space<hbm>>
      tpu.wait_dma2 semaphore(%run_scoped3A_12 : memref<!tpu.dma_semaphore, #tpu.memory_space<semaphore_mem>>) src(%dma_wait3A_16 : memref<64xi32, #tpu.memory_space<hbm>>) dst(%arg6 : memref<64xi32, #tpu.memory_space<vmem>>)
      tpu.yield
    }) : () -> ()
    "tpu.region"() ({
      %run_scoped3A_12 = tpu.sem_alloc : memref<!tpu.dma_semaphore, #tpu.memory_space<semaphore_mem>>
      %dma_start3A_13 = arith.constant 0 : i32
      %dma_start3A_14 = tpu.memref_slice %arg4[%mul3A_2, %dma_start3A_13] : memref<2048x768xf32, #tpu.memory_space<hbm>> -> memref<64x768xf32, #tpu.memory_space<hbm>>
      %dma_start3A_15 = arith.constant 0 : i32
      %dma_start3A_16 = tpu.memref_slice %arg4[%mul3A_2, %dma_start3A_15] : memref<2048x768xf32, #tpu.memory_space<hbm>> -> memref<64x768xf32, #tpu.memory_space<hbm>>
      tpu.enqueue_dma source(%dma_start3A_16 : memref<64x768xf32, #tpu.memory_space<hbm>>) target(%arg8 : memref<64x768xf32, #tpu.memory_space<vmem>>) target_semaphore(%run_scoped3A_12 : memref<!tpu.dma_semaphore, #tpu.memory_space<semaphore_mem>>)
      %dma_wait3A_17 = arith.constant 0 : i32
      %dma_wait3A_18 = tpu.memref_slice %arg4[%mul3A_2, %dma_wait3A_17] : memref<2048x768xf32, #tpu.memory_space<hbm>> -> memref<64x768xf32, #tpu.memory_space<hbm>>
      %dma_wait3A_19 = arith.constant 0 : i32
      %dma_wait3A_20 = tpu.memref_slice %arg4[%mul3A_2, %dma_wait3A_19] : memref<2048x768xf32, #tpu.memory_space<hbm>> -> memref<64x768xf32, #tpu.memory_space<hbm>>
      tpu.wait_dma2 semaphore(%run_scoped3A_12 : memref<!tpu.dma_semaphore, #tpu.memory_space<semaphore_mem>>) src(%dma_wait3A_20 : memref<64x768xf32, #tpu.memory_space<hbm>>) dst(%arg8 : memref<64x768xf32, #tpu.memory_space<vmem>>)
      tpu.yield
    }) : () -> ()
    %dma_start3A = arith.constant 0 : i32
    %dma_start3A_3 = arith.constant 0 : i32
    %dma_start3A_4 = tpu.memref_slice %arg3[%dma_start3A, %dma_start3A_3] : memref<2640x768xf32, #tpu.memory_space<hbm>> -> memref<2640x768xf32, #tpu.memory_space<hbm>>
    tpu.enqueue_indirect_dma source(%dma_start3A_4 : memref<2640x768xf32, #tpu.memory_space<hbm>>) target(%arg7 : memref<64x768xf32, #tpu.memory_space<vmem>>) offsets(%arg6 : memref<64xi32, #tpu.memory_space<vmem>>) semaphore(%arg9 : memref<!tpu.dma_semaphore, #tpu.memory_space<semaphore_mem>>)
    %dma_wait3A = arith.constant 0 : i32
    %dma_wait3A_5 = arith.constant 0 : i32
    %dma_wait3A_6 = tpu.memref_slice %arg3[%dma_wait3A, %dma_wait3A_5] : memref<2640x768xf32, #tpu.memory_space<hbm>> -> memref<2640x768xf32, #tpu.memory_space<hbm>>
    tpu.wait_indirect_dma semaphore(%arg9 : memref<!tpu.dma_semaphore, #tpu.memory_space<semaphore_mem>>) src(%dma_wait3A_6 : memref<2640x768xf32, #tpu.memory_space<hbm>>) dst(%arg7 : memref<64x768xf32, #tpu.memory_space<vmem>>)
    %scan3A = arith.constant 0 : i32
    %scan3A_7 = arith.constant 0 : i32
    %scan3A_8 = arith.constant 64 : i32
    %scan3A_9 = arith.addi %scan3A_7, %scan3A_8 : i32
    %scan3A_10 = arith.constant 1 : i32
    scf.for %scan3A_12 = %scan3A_7 to %scan3A_9 step %scan3A_10  : i32 {
      %get3A = arith.index_cast %scan3A_12 : i32 to index
      %get3A_13 = arith.constant 0 : index
      %get3A_14 = tpu.vector_load %arg8[%get3A, %get3A_13] {strides = array<i32>} : memref<64x768xf32, #tpu.memory_space<vmem>>, vector<1x16xf32>,
      %get3A_15 = vector.shape_cast %get3A_14 : vector<1x16xf32> to vector<16xf32>
      %get3A_16 = arith.index_cast %scan3A_12 : i32 to index
      %get3A_17 = arith.constant 0 : index
      %get3A_18 = tpu.vector_load %arg7[%get3A_16, %get3A_17] {strides = array<i32>} : memref<64x768xf32, #tpu.memory_space<vmem>>, vector<1x16xf32>,
      %get3A_19 = vector.shape_cast %get3A_18 : vector<1x16xf32> to vector<16xf32>
      %add3A_20 = arith.addf %get3A_15, %get3A_19 : vector<16xf32>
      %swap3A = arith.index_cast %scan3A_12 : i32 to index
      %swap3A_21 = arith.constant 0 : index
      %swap3A_22 = tpu.vector_load %arg8[%swap3A, %swap3A_21] {strides = array<i32>} : memref<64x768xf32, #tpu.memory_space<vmem>>, vector<1x16xf32>,
      %swap3A_23 = vector.shape_cast %swap3A_22 : vector<1x16xf32> to vector<16xf32>
      %swap3A_24 = vector.shape_cast %add3A_20 : vector<16xf32> to vector<1x16xf32>
      tpu.vector_store %arg8[%swap3A, %swap3A_21], %swap3A_24 {strides = array<i32>} : memref<64x768xf32, #tpu.memory_space<vmem>>, vector<1x16xf32>,
      %get3A_25 = arith.index_cast %scan3A_12 : i32 to index
      %get3A_26 = arith.constant 16 : index
      %get3A_27 = tpu.vector_load %arg8[%get3A_25, %get3A_26] {strides = array<i32>} : memref<64x768xf32, #tpu.memory_space<vmem>>, vector<1x16xf32>,
      %get3A_28 = vector.shape_cast %get3A_27 : vector<1x16xf32> to vector<16xf32>
      %get3A_29 = arith.index_cast %scan3A_12 : i32 to index
      %get3A_30 = arith.constant 16 : index
      %get3A_31 = tpu.vector_load %arg7[%get3A_29, %get3A_30] {strides = array<i32>} : memref<64x768xf32, #tpu.memory_space<vmem>>, vector<1x16xf32>,
      %get3A_32 = vector.shape_cast %get3A_31 : vector<1x16xf32> to vector<16xf32>
      %add3A_33 = arith.addf %get3A_28, %get3A_32 : vector<16xf32>
      %swap3A_34 = arith.index_cast %scan3A_12 : i32 to index
      %swap3A_35 = arith.constant 16 : index
      %swap3A_36 = tpu.vector_load %arg8[%swap3A_34, %swap3A_35] {strides = array<i32>} : memref<64x768xf32, #tpu.memory_space<vmem>>, vector<1x16xf32>,
      %swap3A_37 = vector.shape_cast %swap3A_36 : vector<1x16xf32> to vector<16xf32>
      %swap3A_38 = vector.shape_cast %add3A_33 : vector<16xf32> to vector<1x16xf32>
      tpu.vector_store %arg8[%swap3A_34, %swap3A_35], %swap3A_38 {strides = array<i32>} : memref<64x768xf32, #tpu.memory_space<vmem>>, vector<1x16xf32>,
      %get3A_39 = arith.index_cast %scan3A_12 : i32 to index
      %get3A_40 = arith.constant 32 : index
      %get3A_41 = tpu.vector_load %arg8[%get3A_39, %get3A_40] {strides = array<i32>} : memref<64x768xf32, #tpu.memory_space<vmem>>, vector<1x16xf32>,
      %get3A_42 = vector.shape_cast %get3A_41 : vector<1x16xf32> to vector<16xf32>
      %get3A_43 = arith.index_cast %scan3A_12 : i32 to index
      %get3A_44 = arith.constant 32 : index
      %get3A_45 = tpu.vector_load %arg7[%get3A_43, %get3A_44] {strides = array<i32>} : memref<64x768xf32, #tpu.memory_space<vmem>>, vector<1x16xf32>,
      %get3A_46 = vector.shape_cast %get3A_45 : vector<1x16xf32> to vector<16xf32>
      %add3A_47 = arith.addf %get3A_42, %get3A_46 : vector<16xf32>
      %swap3A_48 = arith.index_cast %scan3A_12 : i32 to index
      %swap3A_49 = arith.constant 32 : index
      %swap3A_50 = tpu.vector_load %arg8[%swap3A_48, %swap3A_49] {strides = array<i32>} : memref<64x768xf32, #tpu.memory_space<vmem>>, vector<1x16xf32>,
      %swap3A_51 = vector.shape_cast %swap3A_50 : vector<1x16xf32> to vector<16xf32>
      %swap3A_52 = vector.shape_cast %add3A_47 : vector<16xf32> to vector<1x16xf32>
      tpu.vector_store %arg8[%swap3A_48, %swap3A_49], %swap3A_52 {strides = array<i32>} : memref<64x768xf32, #tpu.memory_space<vmem>>, vector<1x16xf32>,
      %get3A_53 = arith.index_cast %scan3A_12 : i32 to index
      %get3A_54 = arith.constant 48 : index
      %get3A_55 = tpu.vector_load %arg8[%get3A_53, %get3A_54] {strides = array<i32>} : memref<64x768xf32, #tpu.memory_space<vmem>>, vector<1x16xf32>,
      %get3A_56 = vector.shape_cast %get3A_55 : vector<1x16xf32> to vector<16xf32>
      %get3A_57 = arith.index_cast %scan3A_12 : i32 to index
      %get3A_58 = arith.constant 48 : index
      %get3A_59 = tpu.vector_load %arg7[%get3A_57, %get3A_58] {strides = array<i32>} : memref<64x768xf32, #tpu.memory_space<vmem>>, vector<1x16xf32>,
      %get3A_60 = vector.shape_cast %get3A_59 : vector<1x16xf32> to vector<16xf32>
      %add3A_61 = arith.addf %get3A_56, %get3A_60 : vector<16xf32>
      %swap3A_62 = arith.index_cast %scan3A_12 : i32 to index
      %swap3A_63 = arith.constant 48 : index
      %swap3A_64 = tpu.vector_load %arg8[%swap3A_62, %swap3A_63] {strides = array<i32>} : memref<64x768xf32, #tpu.memory_space<vmem>>, vector<1x16xf32>,
      %swap3A_65 = vector.shape_cast %swap3A_64 : vector<1x16xf32> to vector<16xf32>
      %swap3A_66 = vector.shape_cast %add3A_61 : vector<16xf32> to vector<1x16xf32>
      tpu.vector_store %arg8[%swap3A_62, %swap3A_63], %swap3A_66 {strides = array<i32>} : memref<64x768xf32, #tpu.memory_space<vmem>>, vector<1x16xf32>,
      %get3A_67 = arith.index_cast %scan3A_12 : i32 to index
      %get3A_68 = arith.constant 64 : index
      %get3A_69 = tpu.vector_load %arg8[%get3A_67, %get3A_68] {strides = array<i32>} : memref<64x768xf32, #tpu.memory_space<vmem>>, vector<1x16xf32>,
      %get3A_70 = vector.shape_cast %get3A_69 : vector<1x16xf32> to vector<16xf32>
      %get3A_71 = arith.index_cast %scan3A_12 : i32 to index
      %get3A_72 = arith.constant 64 : index
      %get3A_73 = tpu.vector_load %arg7[%get3A_71, %get3A_72] {strides = array<i32>} : memref<64x768xf32, #tpu.memory_space<vmem>>, vector<1x16xf32>,
      %get3A_74 = vector.shape_cast %get3A_73 : vector<1x16xf32> to vector<16xf32>
      %add3A_75 = arith.addf %get3A_70, %get3A_74 : vector<16xf32>
      %swap3A_76 = arith.index_cast %scan3A_12 : i32 to index
      %swap3A_77 = arith.constant 64 : index
      %swap3A_78 = tpu.vector_load %arg8[%swap3A_76, %swap3A_77] {strides = array<i32>} : memref<64x768xf32, #tpu.memory_space<vmem>>, vector<1x16xf32>,
      %swap3A_79 = vector.shape_cast %swap3A_78 : vector<1x16xf32> to vector<16xf32>
      %swap3A_80 = vector.shape_cast %add3A_75 : vector<16xf32> to vector<1x16xf32>
      tpu.vector_store %arg8[%swap3A_76, %swap3A_77], %swap3A_80 {strides = array<i32>} : memref<64x768xf32, #tpu.memory_space<vmem>>, vector<1x16xf32>,
      %get3A_81 = arith.index_cast %scan3A_12 : i32 to index
      %get3A_82 = arith.constant 80 : index
      %get3A_83 = tpu.vector_load %arg8[%get3A_81, %get3A_82] {strides = array<i32>} : memref<64x768xf32, #tpu.memory_space<vmem>>, vector<1x16xf32>,
      %get3A_84 = vector.shape_cast %get3A_83 : vector<1x16xf32> to vector<16xf32>
      %get3A_85 = arith.index_cast %scan3A_12 : i32 to index
      %get3A_86 = arith.constant 80 : index
      %get3A_87 = tpu.vector_load %arg7[%get3A_85, %get3A_86] {strides = array<i32>} : memref<64x768xf32, #tpu.memory_space<vmem>>, vector<1x16xf32>,
      %get3A_88 = vector.shape_cast %get3A_87 : vector<1x16xf32> to vector<16xf32>
      %add3A_89 = arith.addf %get3A_84, %get3A_88 : vector<16xf32>
      %swap3A_90 = arith.index_cast %scan3A_12 : i32 to index
      %swap3A_91 = arith.constant 80 : index
      %swap3A_92 = tpu.vector_load %arg8[%swap3A_90, %swap3A_91] {strides = array<i32>} : memref<64x768xf32, #tpu.memory_space<vmem>>, vector<1x16xf32>,
      %swap3A_93 = vector.shape_cast %swap3A_92 : vector<1x16xf32> to vector<16xf32>
      %swap3A_94 = vector.shape_cast %add3A_89 : vector<16xf32> to vector<1x16xf32>
      tpu.vector_store %arg8[%swap3A_90, %swap3A_91], %swap3A_94 {strides = array<i32>} : memref<64x768xf32, #tpu.memory_space<vmem>>, vector<1x16xf32>,
      %get3A_95 = arith.index_cast %scan3A_12 : i32 to index
      %get3A_96 = arith.constant 96 : index
      %get3A_97 = tpu.vector_load %arg8[%get3A_95, %get3A_96] {strides = array<i32>} : memref<64x768xf32, #tpu.memory_space<vmem>>, vector<1x16xf32>,
      %get3A_98 = vector.shape_cast %get3A_97 : vector<1x16xf32> to vector<16xf32>
      %get3A_99 = arith.index_cast %scan3A_12 : i32 to index
      %get3A_100 = arith.constant 96 : index
      %get3A_101 = tpu.vector_load %arg7[%get3A_99, %get3A_100] {strides = array<i32>} : memref<64x768xf32, #tpu.memory_space<vmem>>, vector<1x16xf32>,
      %get3A_102 = vector.shape_cast %get3A_101 : vector<1x16xf32> to vector<16xf32>
      %add3A_103 = arith.addf %get3A_98, %get3A_102 : vector<16xf32>
      %swap3A_104 = arith.index_cast %scan3A_12 : i32 to index
      %swap3A_105 = arith.constant 96 : index
      %swap3A_106 = tpu.vector_load %arg8[%swap3A_104, %swap3A_105] {strides = array<i32>} : memref<64x768xf32, #tpu.memory_space<vmem>>, vector<1x16xf32>,
      %swap3A_107 = vector.shape_cast %swap3A_106 : vector<1x16xf32> to vector<16xf32>
      %swap3A_108 = vector.shape_cast %add3A_103 : vector<16xf32> to vector<1x16xf32>
      tpu.vector_store %arg8[%swap3A_104, %swap3A_105], %swap3A_108 {strides = array<i32>} : memref<64x768xf32, #tpu.memory_space<vmem>>, vector<1x16xf32>,
      %get3A_109 = arith.index_cast %scan3A_12 : i32 to index
      %get3A_110 = arith.constant 112 : index
      %get3A_111 = tpu.vector_load %arg8[%get3A_109, %get3A_110] {strides = array<i32>} : memref<64x768xf32, #tpu.memory_space<vmem>>, vector<1x16xf32>,
      %get3A_112 = vector.shape_cast %get3A_111 : vector<1x16xf32> to vector<16xf32>
      %get3A_113 = arith.index_cast %scan3A_12 : i32 to index
      %get3A_114 = arith.constant 112 : index
      %get3A_115 = tpu.vector_load %arg7[%get3A_113, %get3A_114] {strides = array<i32>} : memref<64x768xf32, #tpu.memory_space<vmem>>, vector<1x16xf32>,
      %get3A_116 = vector.shape_cast %get3A_115 : vector<1x16xf32> to vector<16xf32>
      %add3A_117 = arith.addf %get3A_112, %get3A_116 : vector<16xf32>
      %swap3A_118 = arith.index_cast %scan3A_12 : i32 to index
      %swap3A_119 = arith.constant 112 : index
      %swap3A_120 = tpu.vector_load %arg8[%swap3A_118, %swap3A_119] {strides = array<i32>} : memref<64x768xf32, #tpu.memory_space<vmem>>, vector<1x16xf32>,
      %swap3A_121 = vector.shape_cast %swap3A_120 : vector<1x16xf32> to vector<16xf32>
      %swap3A_122 = vector.shape_cast %add3A_117 : vector<16xf32> to vector<1x16xf32>
      tpu.vector_store %arg8[%swap3A_118, %swap3A_119], %swap3A_122 {strides = array<i32>} : memref<64x768xf32, #tpu.memory_space<vmem>>, vector<1x16xf32>,
      %get3A_123 = arith.index_cast %scan3A_12 : i32 to index
      %get3A_124 = arith.constant 128 : index
      %get3A_125 = tpu.vector_load %arg8[%get3A_123, %get3A_124] {strides = array<i32>} : memref<64x768xf32, #tpu.memory_space<vmem>>, vector<1x16xf32>,
      %get3A_126 = vector.shape_cast %get3A_125 : vector<1x16xf32> to vector<16xf32>
      %get3A_127 = arith.index_cast %scan3A_12 : i32 to index
      %get3A_128 = arith.constant 128 : index
      %get3A_129 = tpu.vector_load %arg7[%get3A_127, %get3A_128] {strides = array<i32>} : memref<64x768xf32, #tpu.memory_space<vmem>>, vector<1x16xf32>,
      %get3A_130 = vector.shape_cast %get3A_129 : vector<1x16xf32> to vector<16xf32>
      %add3A_131 = arith.addf %get3A_126, %get3A_130 : vector<16xf32>
      %swap3A_132 = arith.index_cast %scan3A_12 : i32 to index
      %swap3A_133 = arith.constant 128 : index
      %swap3A_134 = tpu.vector_load %arg8[%swap3A_132, %swap3A_133] {strides = array<i32>} : memref<64x768xf32, #tpu.memory_space<vmem>>, vector<1x16xf32>,
      %swap3A_135 = vector.shape_cast %swap3A_134 : vector<1x16xf32> to vector<16xf32>
      %swap3A_136 = vector.shape_cast %add3A_131 : vector<16xf32> to vector<1x16xf32>
      tpu.vector_store %arg8[%swap3A_132, %swap3A_133], %swap3A_136 {strides = array<i32>} : memref<64x768xf32, #tpu.memory_space<vmem>>, vector<1x16xf32>,
      %get3A_137 = arith.index_cast %scan3A_12 : i32 to index
      %get3A_138 = arith.constant 144 : index
      %get3A_139 = tpu.vector_load %arg8[%get3A_137, %get3A_138] {strides = array<i32>} : memref<64x768xf32, #tpu.memory_space<vmem>>, vector<1x16xf32>,
      %get3A_140 = vector.shape_cast %get3A_139 : vector<1x16xf32> to vector<16xf32>
      %get3A_141 = arith.index_cast %scan3A_12 : i32 to index
      %get3A_142 = arith.constant 144 : index
      %get3A_143 = tpu.vector_load %arg7[%get3A_141, %get3A_142] {strides = array<i32>} : memref<64x768xf32, #tpu.memory_space<vmem>>, vector<1x16xf32>,
      %get3A_144 = vector.shape_cast %get3A_143 : vector<1x16xf32> to vector<16xf32>
      %add3A_145 = arith.addf %get3A_140, %get3A_144 : vector<16xf32>
      %swap3A_146 = arith.index_cast %scan3A_12 : i32 to index
      %swap3A_147 = arith.constant 144 : index
      %swap3A_148 = tpu.vector_load %arg8[%swap3A_146, %swap3A_147] {strides = array<i32>} : memref<64x768xf32, #tpu.memory_space<vmem>>, vector<1x16xf32>,
      %swap3A_149 = vector.shape_cast %swap3A_148 : vector<1x16xf32> to vector<16xf32>
      %swap3A_150 = vector.shape_cast %add3A_145 : vector<16xf32> to vector<1x16xf32>
      tpu.vector_store %arg8[%swap3A_146, %swap3A_147], %swap3A_150 {strides = array<i32>} : memref<64x768xf32, #tpu.memory_space<vmem>>, vector<1x16xf32>,
      %get3A_151 = arith.index_cast %scan3A_12 : i32 to index
      %get3A_152 = arith.constant 160 : index
      %get3A_153 = tpu.vector_load %arg8[%get3A_151, %get3A_152] {strides = array<i32>} : memref<64x768xf32, #tpu.memory_space<vmem>>, vector<1x16xf32>,
      %get3A_154 = vector.shape_cast %get3A_153 : vector<1x16xf32> to vector<16xf32>
      %get3A_155 = arith.index_cast %scan3A_12 : i32 to index
      %get3A_156 = arith.constant 160 : index
      %get3A_157 = tpu.vector_load %arg7[%get3A_155, %get3A_156] {strides = array<i32>} : memref<64x768xf32, #tpu.memory_space<vmem>>, vector<1x16xf32>,
      %get3A_158 = vector.shape_cast %get3A_157 : vector<1x16xf32> to vector<16xf32>
      %add3A_159 = arith.addf %get3A_154, %get3A_158 : vector<16xf32>
      %swap3A_160 = arith.index_cast %scan3A_12 : i32 to index
      %swap3A_161 = arith.constant 160 : index
      %swap3A_162 = tpu.vector_load %arg8[%swap3A_160, %swap3A_161] {strides = array<i32>} : memref<64x768xf32, #tpu.memory_space<vmem>>, vector<1x16xf32>,
      %swap3A_163 = vector.shape_cast %swap3A_162 : vector<1x16xf32> to vector<16xf32>
      %swap3A_164 = vector.shape_cast %add3A_159 : vector<16xf32> to vector<1x16xf32>
      tpu.vector_store %arg8[%swap3A_160, %swap3A_161], %swap3A_164 {strides = array<i32>} : memref<64x768xf32, #tpu.memory_space<vmem>>, vector<1x16xf32>,
      %get3A_165 = arith.index_cast %scan3A_12 : i32 to index
      %get3A_166 = arith.constant 176 : index
      %get3A_167 = tpu.vector_load %arg8[%get3A_165, %get3A_166] {strides = array<i32>} : memref<64x768xf32, #tpu.memory_space<vmem>>, vector<1x16xf32>,
      %get3A_168 = vector.shape_cast %get3A_167 : vector<1x16xf32> to vector<16xf32>
      %get3A_169 = arith.index_cast %scan3A_12 : i32 to index
      %get3A_170 = arith.constant 176 : index
      %get3A_171 = tpu.vector_load %arg7[%get3A_169, %get3A_170] {strides = array<i32>} : memref<64x768xf32, #tpu.memory_space<vmem>>, vector<1x16xf32>,
      %get3A_172 = vector.shape_cast %get3A_171 : vector<1x16xf32> to vector<16xf32>
      %add3A_173 = arith.addf %get3A_168, %get3A_172 : vector<16xf32>
      %swap3A_174 = arith.index_cast %scan3A_12 : i32 to index
      %swap3A_175 = arith.constant 176 : index
      %swap3A_176 = tpu.vector_load %arg8[%swap3A_174, %swap3A_175] {strides = array<i32>} : memref<64x768xf32, #tpu.memory_space<vmem>>, vector<1x16xf32>,
      %swap3A_177 = vector.shape_cast %swap3A_176 : vector<1x16xf32> to vector<16xf32>
      %swap3A_178 = vector.shape_cast %add3A_173 : vector<16xf32> to vector<1x16xf32>
      tpu.vector_store %arg8[%swap3A_174, %swap3A_175], %swap3A_178 {strides = array<i32>} : memref<64x768xf32, #tpu.memory_space<vmem>>, vector<1x16xf32>,
      %get3A_179 = arith.index_cast %scan3A_12 : i32 to index
      %get3A_180 = arith.constant 192 : index
      %get3A_181 = tpu.vector_load %arg8[%get3A_179, %get3A_180] {strides = array<i32>} : memref<64x768xf32, #tpu.memory_space<vmem>>, vector<1x16xf32>,
      %get3A_182 = vector.shape_cast %get3A_181 : vector<1x16xf32> to vector<16xf32>
      %get3A_183 = arith.index_cast %scan3A_12 : i32 to index
      %get3A_184 = arith.constant 192 : index
      %get3A_185 = tpu.vector_load %arg7[%get3A_183, %get3A_184] {strides = array<i32>} : memref<64x768xf32, #tpu.memory_space<vmem>>, vector<1x16xf32>,
      %get3A_186 = vector.shape_cast %get3A_185 : vector<1x16xf32> to vector<16xf32>
      %add3A_187 = arith.addf %get3A_182, %get3A_186 : vector<16xf32>
      %swap3A_188 = arith.index_cast %scan3A_12 : i32 to index
      %swap3A_189 = arith.constant 192 : index
      %swap3A_190 = tpu.vector_load %arg8[%swap3A_188, %swap3A_189] {strides = array<i32>} : memref<64x768xf32, #tpu.memory_space<vmem>>, vector<1x16xf32>,
      %swap3A_191 = vector.shape_cast %swap3A_190 : vector<1x16xf32> to vector<16xf32>
      %swap3A_192 = vector.shape_cast %add3A_187 : vector<16xf32> to vector<1x16xf32>
      tpu.vector_store %arg8[%swap3A_188, %swap3A_189], %swap3A_192 {strides = array<i32>} : memref<64x768xf32, #tpu.memory_space<vmem>>, vector<1x16xf32>,
      %get3A_193 = arith.index_cast %scan3A_12 : i32 to index
      %get3A_194 = arith.constant 208 : index
      %get3A_195 = tpu.vector_load %arg8[%get3A_193, %get3A_194] {strides = array<i32>} : memref<64x768xf32, #tpu.memory_space<vmem>>, vector<1x16xf32>,
      %get3A_196 = vector.shape_cast %get3A_195 : vector<1x16xf32> to vector<16xf32>
      %get3A_197 = arith.index_cast %scan3A_12 : i32 to index
      %get3A_198 = arith.constant 208 : index
      %get3A_199 = tpu.vector_load %arg7[%get3A_197, %get3A_198] {strides = array<i32>} : memref<64x768xf32, #tpu.memory_space<vmem>>, vector<1x16xf32>,
      %get3A_200 = vector.shape_cast %get3A_199 : vector<1x16xf32> to vector<16xf32>
      %add3A_201 = arith.addf %get3A_196, %get3A_200 : vector<16xf32>
      %swap3A_202 = arith.index_cast %scan3A_12 : i32 to index
      %swap3A_203 = arith.constant 208 : index
      %swap3A_204 = tpu.vector_load %arg8[%swap3A_202, %swap3A_203] {strides = array<i32>} : memref<64x768xf32, #tpu.memory_space<vmem>>, vector<1x16xf32>,
      %swap3A_205 = vector.shape_cast %swap3A_204 : vector<1x16xf32> to vector<16xf32>
      %swap3A_206 = vector.shape_cast %add3A_201 : vector<16xf32> to vector<1x16xf32>
      tpu.vector_store %arg8[%swap3A_202, %swap3A_203], %swap3A_206 {strides = array<i32>} : memref<64x768xf32, #tpu.memory_space<vmem>>, vector<1x16xf32>,
      %get3A_207 = arith.index_cast %scan3A_12 : i32 to index
      %get3A_208 = arith.constant 224 : index
      %get3A_209 = tpu.vector_load %arg8[%get3A_207, %get3A_208] {strides = array<i32>} : memref<64x768xf32, #tpu.memory_space<vmem>>, vector<1x16xf32>,
      %get3A_210 = vector.shape_cast %get3A_209 : vector<1x16xf32> to vector<16xf32>
      %get3A_211 = arith.index_cast %scan3A_12 : i32 to index
      %get3A_212 = arith.constant 224 : index
      %get3A_213 = tpu.vector_load %arg7[%get3A_211, %get3A_212] {strides = array<i32>} : memref<64x768xf32, #tpu.memory_space<vmem>>, vector<1x16xf32>,
      %get3A_214 = vector.shape_cast %get3A_213 : vector<1x16xf32> to vector<16xf32>
      %add3A_215 = arith.addf %get3A_210, %get3A_214 : vector<16xf32>
      %swap3A_216 = arith.index_cast %scan3A_12 : i32 to index
      %swap3A_217 = arith.constant 224 : index
      %swap3A_218 = tpu.vector_load %arg8[%swap3A_216, %swap3A_217] {strides = array<i32>} : memref<64x768xf32, #tpu.memory_space<vmem>>, vector<1x16xf32>,
      %swap3A_219 = vector.shape_cast %swap3A_218 : vector<1x16xf32> to vector<16xf32>
      %swap3A_220 = vector.shape_cast %add3A_215 : vector<16xf32> to vector<1x16xf32>
      tpu.vector_store %arg8[%swap3A_216, %swap3A_217], %swap3A_220 {strides = array<i32>} : memref<64x768xf32, #tpu.memory_space<vmem>>, vector<1x16xf32>,
      %get3A_221 = arith.index_cast %scan3A_12 : i32 to index
      %get3A_222 = arith.constant 240 : index
      %get3A_223 = tpu.vector_load %arg8[%get3A_221, %get3A_222] {strides = array<i32>} : memref<64x768xf32, #tpu.memory_space<vmem>>, vector<1x16xf32>,
      %get3A_224 = vector.shape_cast %get3A_223 : vector<1x16xf32> to vector<16xf32>
      %get3A_225 = arith.index_cast %scan3A_12 : i32 to index
      %get3A_226 = arith.constant 240 : index
      %get3A_227 = tpu.vector_load %arg7[%get3A_225, %get3A_226] {strides = array<i32>} : memref<64x768xf32, #tpu.memory_space<vmem>>, vector<1x16xf32>,
      %get3A_228 = vector.shape_cast %get3A_227 : vector<1x16xf32> to vector<16xf32>
      %add3A_229 = arith.addf %get3A_224, %get3A_228 : vector<16xf32>
      %swap3A_230 = arith.index_cast %scan3A_12 : i32 to index
      %swap3A_231 = arith.constant 240 : index
      %swap3A_232 = tpu.vector_load %arg8[%swap3A_230, %swap3A_231] {strides = array<i32>} : memref<64x768xf32, #tpu.memory_space<vmem>>, vector<1x16xf32>,
      %swap3A_233 = vector.shape_cast %swap3A_232 : vector<1x16xf32> to vector<16xf32>
      %swap3A_234 = vector.shape_cast %add3A_229 : vector<16xf32> to vector<1x16xf32>
      tpu.vector_store %arg8[%swap3A_230, %swap3A_231], %swap3A_234 {strides = array<i32>} : memref<64x768xf32, #tpu.memory_space<vmem>>, vector<1x16xf32>,
      %get3A_235 = arith.index_cast %scan3A_12 : i32 to index
      %get3A_236 = arith.constant 256 : index
      %get3A_237 = tpu.vector_load %arg8[%get3A_235, %get3A_236] {strides = array<i32>} : memref<64x768xf32, #tpu.memory_space<vmem>>, vector<1x16xf32>,
      %get3A_238 = vector.shape_cast %get3A_237 : vector<1x16xf32> to vector<16xf32>
      %get3A_239 = arith.index_cast %scan3A_12 : i32 to index
      %get3A_240 = arith.constant 256 : index
      %get3A_241 = tpu.vector_load %arg7[%get3A_239, %get3A_240] {strides = array<i32>} : memref<64x768xf32, #tpu.memory_space<vmem>>, vector<1x16xf32>,
      %get3A_242 = vector.shape_cast %get3A_241 : vector<1x16xf32> to vector<16xf32>
      %add3A_243 = arith.addf %get3A_238, %get3A_242 : vector<16xf32>
      %swap3A_244 = arith.index_cast %scan3A_12 : i32 to index
      %swap3A_245 = arith.constant 256 : index
      %swap3A_246 = tpu.vector_load %arg8[%swap3A_244, %swap3A_245] {strides = array<i32>} : memref<64x768xf32, #tpu.memory_space<vmem>>, vector<1x16xf32>,
      %swap3A_247 = vector.shape_cast %swap3A_246 : vector<1x16xf32> to vector<16xf32>
      %swap3A_248 = vector.shape_cast %add3A_243 : vector<16xf32> to vector<1x16xf32>
      tpu.vector_store %arg8[%swap3A_244, %swap3A_245], %swap3A_248 {strides = array<i32>} : memref<64x768xf32, #tpu.memory_space<vmem>>, vector<1x16xf32>,
      %get3A_249 = arith.index_cast %scan3A_12 : i32 to index
      %get3A_250 = arith.constant 272 : index
      %get3A_251 = tpu.vector_load %arg8[%get3A_249, %get3A_250] {strides = array<i32>} : memref<64x768xf32, #tpu.memory_space<vmem>>, vector<1x16xf32>,
      %get3A_252 = vector.shape_cast %get3A_251 : vector<1x16xf32> to vector<16xf32>
      %get3A_253 = arith.index_cast %scan3A_12 : i32 to index
      %get3A_254 = arith.constant 272 : index
      %get3A_255 = tpu.vector_load %arg7[%get3A_253, %get3A_254] {strides = array<i32>} : memref<64x768xf32, #tpu.memory_space<vmem>>, vector<1x16xf32>,
      %get3A_256 = vector.shape_cast %get3A_255 : vector<1x16xf32> to vector<16xf32>
      %add3A_257 = arith.addf %get3A_252, %get3A_256 : vector<16xf32>
      %swap3A_258 = arith.index_cast %scan3A_12 : i32 to index
      %swap3A_259 = arith.constant 272 : index
      %swap3A_260 = tpu.vector_load %arg8[%swap3A_258, %swap3A_259] {strides = array<i32>} : memref<64x768xf32, #tpu.memory_space<vmem>>, vector<1x16xf32>,
      %swap3A_261 = vector.shape_cast %swap3A_260 : vector<1x16xf32> to vector<16xf32>
      %swap3A_262 = vector.shape_cast %add3A_257 : vector<16xf32> to vector<1x16xf32>
      tpu.vector_store %arg8[%swap3A_258, %swap3A_259], %swap3A_262 {strides = array<i32>} : memref<64x768xf32, #tpu.memory_space<vmem>>, vector<1x16xf32>,
      %get3A_263 = arith.index_cast %scan3A_12 : i32 to index
      %get3A_264 = arith.constant 288 : index
      %get3A_265 = tpu.vector_load %arg8[%get3A_263, %get3A_264] {strides = array<i32>} : memref<64x768xf32, #tpu.memory_space<vmem>>, vector<1x16xf32>,
      %get3A_266 = vector.shape_cast %get3A_265 : vector<1x16xf32> to vector<16xf32>
      %get3A_267 = arith.index_cast %scan3A_12 : i32 to index
      %get3A_268 = arith.constant 288 : index
      %get3A_269 = tpu.vector_load %arg7[%get3A_267, %get3A_268] {strides = array<i32>} : memref<64x768xf32, #tpu.memory_space<vmem>>, vector<1x16xf32>,
      %get3A_270 = vector.shape_cast %get3A_269 : vector<1x16xf32> to vector<16xf32>
      %add3A_271 = arith.addf %get3A_266, %get3A_270 : vector<16xf32>
      %swap3A_272 = arith.index_cast %scan3A_12 : i32 to index
      %swap3A_273 = arith.constant 288 : index
      %swap3A_274 = tpu.vector_load %arg8[%swap3A_272, %swap3A_273] {strides = array<i32>} : memref<64x768xf32, #tpu.memory_space<vmem>>, vector<1x16xf32>,
      %swap3A_275 = vector.shape_cast %swap3A_274 : vector<1x16xf32> to vector<16xf32>
      %swap3A_276 = vector.shape_cast %add3A_271 : vector<16xf32> to vector<1x16xf32>
      tpu.vector_store %arg8[%swap3A_272, %swap3A_273], %swap3A_276 {strides = array<i32>} : memref<64x768xf32, #tpu.memory_space<vmem>>, vector<1x16xf32>,
      %get3A_277 = arith.index_cast %scan3A_12 : i32 to index
      %get3A_278 = arith.constant 304 : index
      %get3A_279 = tpu.vector_load %arg8[%get3A_277, %get3A_278] {strides = array<i32>} : memref<64x768xf32, #tpu.memory_space<vmem>>, vector<1x16xf32>,
      %get3A_280 = vector.shape_cast %get3A_279 : vector<1x16xf32> to vector<16xf32>
      %get3A_281 = arith.index_cast %scan3A_12 : i32 to index
      %get3A_282 = arith.constant 304 : index
      %get3A_283 = tpu.vector_load %arg7[%get3A_281, %get3A_282] {strides = array<i32>} : memref<64x768xf32, #tpu.memory_space<vmem>>, vector<1x16xf32>,
      %get3A_284 = vector.shape_cast %get3A_283 : vector<1x16xf32> to vector<16xf32>
      %add3A_285 = arith.addf %get3A_280, %get3A_284 : vector<16xf32>
      %swap3A_286 = arith.index_cast %scan3A_12 : i32 to index
      %swap3A_287 = arith.constant 304 : index
      %swap3A_288 = tpu.vector_load %arg8[%swap3A_286, %swap3A_287] {strides = array<i32>} : memref<64x768xf32, #tpu.memory_space<vmem>>, vector<1x16xf32>,
      %swap3A_289 = vector.shape_cast %swap3A_288 : vector<1x16xf32> to vector<16xf32>
      %swap3A_290 = vector.shape_cast %add3A_285 : vector<16xf32> to vector<1x16xf32>
      tpu.vector_store %arg8[%swap3A_286, %swap3A_287], %swap3A_290 {strides = array<i32>} : memref<64x768xf32, #tpu.memory_space<vmem>>, vector<1x16xf32>,
      %get3A_291 = arith.index_cast %scan3A_12 : i32 to index
      %get3A_292 = arith.constant 320 : index
      %get3A_293 = tpu.vector_load %arg8[%get3A_291, %get3A_292] {strides = array<i32>} : memref<64x768xf32, #tpu.memory_space<vmem>>, vector<1x16xf32>,
      %get3A_294 = vector.shape_cast %get3A_293 : vector<1x16xf32> to vector<16xf32>
      %get3A_295 = arith.index_cast %scan3A_12 : i32 to index
      %get3A_296 = arith.constant 320 : index
      %get3A_297 = tpu.vector_load %arg7[%get3A_295, %get3A_296] {strides = array<i32>} : memref<64x768xf32, #tpu.memory_space<vmem>>, vector<1x16xf32>,
      %get3A_298 = vector.shape_cast %get3A_297 : vector<1x16xf32> to vector<16xf32>
      %add3A_299 = arith.addf %get3A_294, %get3A_298 : vector<16xf32>
      %swap3A_300 = arith.index_cast %scan3A_12 : i32 to index
      %swap3A_301 = arith.constant 320 : index
      %swap3A_302 = tpu.vector_load %arg8[%swap3A_300, %swap3A_301] {strides = array<i32>} : memref<64x768xf32, #tpu.memory_space<vmem>>, vector<1x16xf32>,
      %swap3A_303 = vector.shape_cast %swap3A_302 : vector<1x16xf32> to vector<16xf32>
      %swap3A_304 = vector.shape_cast %add3A_299 : vector<16xf32> to vector<1x16xf32>
      tpu.vector_store %arg8[%swap3A_300, %swap3A_301], %swap3A_304 {strides = array<i32>} : memref<64x768xf32, #tpu.memory_space<vmem>>, vector<1x16xf32>,
      %get3A_305 = arith.index_cast %scan3A_12 : i32 to index
      %get3A_306 = arith.constant 336 : index
      %get3A_307 = tpu.vector_load %arg8[%get3A_305, %get3A_306] {strides = array<i32>} : memref<64x768xf32, #tpu.memory_space<vmem>>, vector<1x16xf32>,
      %get3A_308 = vector.shape_cast %get3A_307 : vector<1x16xf32> to vector<16xf32>
      %get3A_309 = arith.index_cast %scan3A_12 : i32 to index
      %get3A_310 = arith.constant 336 : index
      %get3A_311 = tpu.vector_load %arg7[%get3A_309, %get3A_310] {strides = array<i32>} : memref<64x768xf32, #tpu.memory_space<vmem>>, vector<1x16xf32>,
      %get3A_312 = vector.shape_cast %get3A_311 : vector<1x16xf32> to vector<16xf32>
      %add3A_313 = arith.addf %get3A_308, %get3A_312 : vector<16xf32>
      %swap3A_314 = arith.index_cast %scan3A_12 : i32 to index
      %swap3A_315 = arith.constant 336 : index
      %swap3A_316 = tpu.vector_load %arg8[%swap3A_314, %swap3A_315] {strides = array<i32>} : memref<64x768xf32, #tpu.memory_space<vmem>>, vector<1x16xf32>,
      %swap3A_317 = vector.shape_cast %swap3A_316 : vector<1x16xf32> to vector<16xf32>
      %swap3A_318 = vector.shape_cast %add3A_313 : vector<16xf32> to vector<1x16xf32>
      tpu.vector_store %arg8[%swap3A_314, %swap3A_315], %swap3A_318 {strides = array<i32>} : memref<64x768xf32, #tpu.memory_space<vmem>>, vector<1x16xf32>,
      %get3A_319 = arith.index_cast %scan3A_12 : i32 to index
      %get3A_320 = arith.constant 352 : index
      %get3A_321 = tpu.vector_load %arg8[%get3A_319, %get3A_320] {strides = array<i32>} : memref<64x768xf32, #tpu.memory_space<vmem>>, vector<1x16xf32>,
      %get3A_322 = vector.shape_cast %get3A_321 : vector<1x16xf32> to vector<16xf32>
      %get3A_323 = arith.index_cast %scan3A_12 : i32 to index
      %get3A_324 = arith.constant 352 : index
      %get3A_325 = tpu.vector_load %arg7[%get3A_323, %get3A_324] {strides = array<i32>} : memref<64x768xf32, #tpu.memory_space<vmem>>, vector<1x16xf32>,
      %get3A_326 = vector.shape_cast %get3A_325 : vector<1x16xf32> to vector<16xf32>
      %add3A_327 = arith.addf %get3A_322, %get3A_326 : vector<16xf32>
      %swap3A_328 = arith.index_cast %scan3A_12 : i32 to index
      %swap3A_329 = arith.constant 352 : index
      %swap3A_330 = tpu.vector_load %arg8[%swap3A_328, %swap3A_329] {strides = array<i32>} : memref<64x768xf32, #tpu.memory_space<vmem>>, vector<1x16xf32>,
      %swap3A_331 = vector.shape_cast %swap3A_330 : vector<1x16xf32> to vector<16xf32>
      %swap3A_332 = vector.shape_cast %add3A_327 : vector<16xf32> to vector<1x16xf32>
      tpu.vector_store %arg8[%swap3A_328, %swap3A_329], %swap3A_332 {strides = array<i32>} : memref<64x768xf32, #tpu.memory_space<vmem>>, vector<1x16xf32>,
      %get3A_333 = arith.index_cast %scan3A_12 : i32 to index
      %get3A_334 = arith.constant 368 : index
      %get3A_335 = tpu.vector_load %arg8[%get3A_333, %get3A_334] {strides = array<i32>} : memref<64x768xf32, #tpu.memory_space<vmem>>, vector<1x16xf32>,
      %get3A_336 = vector.shape_cast %get3A_335 : vector<1x16xf32> to vector<16xf32>
      %get3A_337 = arith.index_cast %scan3A_12 : i32 to index
      %get3A_338 = arith.constant 368 : index
      %get3A_339 = tpu.vector_load %arg7[%get3A_337, %get3A_338] {strides = array<i32>} : memref<64x768xf32, #tpu.memory_space<vmem>>, vector<1x16xf32>,
      %get3A_340 = vector.shape_cast %get3A_339 : vector<1x16xf32> to vector<16xf32>
      %add3A_341 = arith.addf %get3A_336, %get3A_340 : vector<16xf32>
      %swap3A_342 = arith.index_cast %scan3A_12 : i32 to index
      %swap3A_343 = arith.constant 368 : index
      %swap3A_344 = tpu.vector_load %arg8[%swap3A_342, %swap3A_343] {strides = array<i32>} : memref<64x768xf32, #tpu.memory_space<vmem>>, vector<1x16xf32>,
      %swap3A_345 = vector.shape_cast %swap3A_344 : vector<1x16xf32> to vector<16xf32>
      %swap3A_346 = vector.shape_cast %add3A_341 : vector<16xf32> to vector<1x16xf32>
      tpu.vector_store %arg8[%swap3A_342, %swap3A_343], %swap3A_346 {strides = array<i32>} : memref<64x768xf32, #tpu.memory_space<vmem>>, vector<1x16xf32>,
      %get3A_347 = arith.index_cast %scan3A_12 : i32 to index
      %get3A_348 = arith.constant 384 : index
      %get3A_349 = tpu.vector_load %arg8[%get3A_347, %get3A_348] {strides = array<i32>} : memref<64x768xf32, #tpu.memory_space<vmem>>, vector<1x16xf32>,
      %get3A_350 = vector.shape_cast %get3A_349 : vector<1x16xf32> to vector<16xf32>
      %get3A_351 = arith.index_cast %scan3A_12 : i32 to index
      %get3A_352 = arith.constant 384 : index
      %get3A_353 = tpu.vector_load %arg7[%get3A_351, %get3A_352] {strides = array<i32>} : memref<64x768xf32, #tpu.memory_space<vmem>>, vector<1x16xf32>,
      %get3A_354 = vector.shape_cast %get3A_353 : vector<1x16xf32> to vector<16xf32>
      %add3A_355 = arith.addf %get3A_350, %get3A_354 : vector<16xf32>
      %swap3A_356 = arith.index_cast %scan3A_12 : i32 to index
      %swap3A_357 = arith.constant 384 : index
      %swap3A_358 = tpu.vector_load %arg8[%swap3A_356, %swap3A_357] {strides = array<i32>} : memref<64x768xf32, #tpu.memory_space<vmem>>, vector<1x16xf32>,
      %swap3A_359 = vector.shape_cast %swap3A_358 : vector<1x16xf32> to vector<16xf32>
      %swap3A_360 = vector.shape_cast %add3A_355 : vector<16xf32> to vector<1x16xf32>
      tpu.vector_store %arg8[%swap3A_356, %swap3A_357], %swap3A_360 {strides = array<i32>} : memref<64x768xf32, #tpu.memory_space<vmem>>, vector<1x16xf32>,
      %get3A_361 = arith.index_cast %scan3A_12 : i32 to index
      %get3A_362 = arith.constant 400 : index
      %get3A_363 = tpu.vector_load %arg8[%get3A_361, %get3A_362] {strides = array<i32>} : memref<64x768xf32, #tpu.memory_space<vmem>>, vector<1x16xf32>,
      %get3A_364 = vector.shape_cast %get3A_363 : vector<1x16xf32> to vector<16xf32>
      %get3A_365 = arith.index_cast %scan3A_12 : i32 to index
      %get3A_366 = arith.constant 400 : index
      %get3A_367 = tpu.vector_load %arg7[%get3A_365, %get3A_366] {strides = array<i32>} : memref<64x768xf32, #tpu.memory_space<vmem>>, vector<1x16xf32>,
      %get3A_368 = vector.shape_cast %get3A_367 : vector<1x16xf32> to vector<16xf32>
      %add3A_369 = arith.addf %get3A_364, %get3A_368 : vector<16xf32>
      %swap3A_370 = arith.index_cast %scan3A_12 : i32 to index
      %swap3A_371 = arith.constant 400 : index
      %swap3A_372 = tpu.vector_load %arg8[%swap3A_370, %swap3A_371] {strides = array<i32>} : memref<64x768xf32, #tpu.memory_space<vmem>>, vector<1x16xf32>,
      %swap3A_373 = vector.shape_cast %swap3A_372 : vector<1x16xf32> to vector<16xf32>
      %swap3A_374 = vector.shape_cast %add3A_369 : vector<16xf32> to vector<1x16xf32>
      tpu.vector_store %arg8[%swap3A_370, %swap3A_371], %swap3A_374 {strides = array<i32>} : memref<64x768xf32, #tpu.memory_space<vmem>>, vector<1x16xf32>,
      %get3A_375 = arith.index_cast %scan3A_12 : i32 to index
      %get3A_376 = arith.constant 416 : index
      %get3A_377 = tpu.vector_load %arg8[%get3A_375, %get3A_376] {strides = array<i32>} : memref<64x768xf32, #tpu.memory_space<vmem>>, vector<1x16xf32>,
      %get3A_378 = vector.shape_cast %get3A_377 : vector<1x16xf32> to vector<16xf32>
      %get3A_379 = arith.index_cast %scan3A_12 : i32 to index
      %get3A_380 = arith.constant 416 : index
      %get3A_381 = tpu.vector_load %arg7[%get3A_379, %get3A_380] {strides = array<i32>} : memref<64x768xf32, #tpu.memory_space<vmem>>, vector<1x16xf32>,
      %get3A_382 = vector.shape_cast %get3A_381 : vector<1x16xf32> to vector<16xf32>
      %add3A_383 = arith.addf %get3A_378, %get3A_382 : vector<16xf32>
      %swap3A_384 = arith.index_cast %scan3A_12 : i32 to index
      %swap3A_385 = arith.constant 416 : index
      %swap3A_386 = tpu.vector_load %arg8[%swap3A_384, %swap3A_385] {strides = array<i32>} : memref<64x768xf32, #tpu.memory_space<vmem>>, vector<1x16xf32>,
      %swap3A_387 = vector.shape_cast %swap3A_386 : vector<1x16xf32> to vector<16xf32>
      %swap3A_388 = vector.shape_cast %add3A_383 : vector<16xf32> to vector<1x16xf32>
      tpu.vector_store %arg8[%swap3A_384, %swap3A_385], %swap3A_388 {strides = array<i32>} : memref<64x768xf32, #tpu.memory_space<vmem>>, vector<1x16xf32>,
      %get3A_389 = arith.index_cast %scan3A_12 : i32 to index
      %get3A_390 = arith.constant 432 : index
      %get3A_391 = tpu.vector_load %arg8[%get3A_389, %get3A_390] {strides = array<i32>} : memref<64x768xf32, #tpu.memory_space<vmem>>, vector<1x16xf32>,
      %get3A_392 = vector.shape_cast %get3A_391 : vector<1x16xf32> to vector<16xf32>
      %get3A_393 = arith.index_cast %scan3A_12 : i32 to index
      %get3A_394 = arith.constant 432 : index
      %get3A_395 = tpu.vector_load %arg7[%get3A_393, %get3A_394] {strides = array<i32>} : memref<64x768xf32, #tpu.memory_space<vmem>>, vector<1x16xf32>,
      %get3A_396 = vector.shape_cast %get3A_395 : vector<1x16xf32> to vector<16xf32>
      %add3A_397 = arith.addf %get3A_392, %get3A_396 : vector<16xf32>
      %swap3A_398 = arith.index_cast %scan3A_12 : i32 to index
      %swap3A_399 = arith.constant 432 : index
      %swap3A_400 = tpu.vector_load %arg8[%swap3A_398, %swap3A_399] {strides = array<i32>} : memref<64x768xf32, #tpu.memory_space<vmem>>, vector<1x16xf32>,
      %swap3A_401 = vector.shape_cast %swap3A_400 : vector<1x16xf32> to vector<16xf32>
      %swap3A_402 = vector.shape_cast %add3A_397 : vector<16xf32> to vector<1x16xf32>
      tpu.vector_store %arg8[%swap3A_398, %swap3A_399], %swap3A_402 {strides = array<i32>} : memref<64x768xf32, #tpu.memory_space<vmem>>, vector<1x16xf32>,
      %get3A_403 = arith.index_cast %scan3A_12 : i32 to index
      %get3A_404 = arith.constant 448 : index
      %get3A_405 = tpu.vector_load %arg8[%get3A_403, %get3A_404] {strides = array<i32>} : memref<64x768xf32, #tpu.memory_space<vmem>>, vector<1x16xf32>,
      %get3A_406 = vector.shape_cast %get3A_405 : vector<1x16xf32> to vector<16xf32>
      %get3A_407 = arith.index_cast %scan3A_12 : i32 to index
      %get3A_408 = arith.constant 448 : index
      %get3A_409 = tpu.vector_load %arg7[%get3A_407, %get3A_408] {strides = array<i32>} : memref<64x768xf32, #tpu.memory_space<vmem>>, vector<1x16xf32>,
      %get3A_410 = vector.shape_cast %get3A_409 : vector<1x16xf32> to vector<16xf32>
      %add3A_411 = arith.addf %get3A_406, %get3A_410 : vector<16xf32>
      %swap3A_412 = arith.index_cast %scan3A_12 : i32 to index
      %swap3A_413 = arith.constant 448 : index
      %swap3A_414 = tpu.vector_load %arg8[%swap3A_412, %swap3A_413] {strides = array<i32>} : memref<64x768xf32, #tpu.memory_space<vmem>>, vector<1x16xf32>,
      %swap3A_415 = vector.shape_cast %swap3A_414 : vector<1x16xf32> to vector<16xf32>
      %swap3A_416 = vector.shape_cast %add3A_411 : vector<16xf32> to vector<1x16xf32>
      tpu.vector_store %arg8[%swap3A_412, %swap3A_413], %swap3A_416 {strides = array<i32>} : memref<64x768xf32, #tpu.memory_space<vmem>>, vector<1x16xf32>,
      %get3A_417 = arith.index_cast %scan3A_12 : i32 to index
      %get3A_418 = arith.constant 464 : index
      %get3A_419 = tpu.vector_load %arg8[%get3A_417, %get3A_418] {strides = array<i32>} : memref<64x768xf32, #tpu.memory_space<vmem>>, vector<1x16xf32>,
      %get3A_420 = vector.shape_cast %get3A_419 : vector<1x16xf32> to vector<16xf32>
      %get3A_421 = arith.index_cast %scan3A_12 : i32 to index
      %get3A_422 = arith.constant 464 : index
      %get3A_423 = tpu.vector_load %arg7[%get3A_421, %get3A_422] {strides = array<i32>} : memref<64x768xf32, #tpu.memory_space<vmem>>, vector<1x16xf32>,
      %get3A_424 = vector.shape_cast %get3A_423 : vector<1x16xf32> to vector<16xf32>
      %add3A_425 = arith.addf %get3A_420, %get3A_424 : vector<16xf32>
      %swap3A_426 = arith.index_cast %scan3A_12 : i32 to index
      %swap3A_427 = arith.constant 464 : index
      %swap3A_428 = tpu.vector_load %arg8[%swap3A_426, %swap3A_427] {strides = array<i32>} : memref<64x768xf32, #tpu.memory_space<vmem>>, vector<1x16xf32>,
      %swap3A_429 = vector.shape_cast %swap3A_428 : vector<1x16xf32> to vector<16xf32>
      %swap3A_430 = vector.shape_cast %add3A_425 : vector<16xf32> to vector<1x16xf32>
      tpu.vector_store %arg8[%swap3A_426, %swap3A_427], %swap3A_430 {strides = array<i32>} : memref<64x768xf32, #tpu.memory_space<vmem>>, vector<1x16xf32>,
      %get3A_431 = arith.index_cast %scan3A_12 : i32 to index
      %get3A_432 = arith.constant 480 : index
      %get3A_433 = tpu.vector_load %arg8[%get3A_431, %get3A_432] {strides = array<i32>} : memref<64x768xf32, #tpu.memory_space<vmem>>, vector<1x16xf32>,
      %get3A_434 = vector.shape_cast %get3A_433 : vector<1x16xf32> to vector<16xf32>
      %get3A_435 = arith.index_cast %scan3A_12 : i32 to index
      %get3A_436 = arith.constant 480 : index
      %get3A_437 = tpu.vector_load %arg7[%get3A_435, %get3A_436] {strides = array<i32>} : memref<64x768xf32, #tpu.memory_space<vmem>>, vector<1x16xf32>,
      %get3A_438 = vector.shape_cast %get3A_437 : vector<1x16xf32> to vector<16xf32>
      %add3A_439 = arith.addf %get3A_434, %get3A_438 : vector<16xf32>
      %swap3A_440 = arith.index_cast %scan3A_12 : i32 to index
      %swap3A_441 = arith.constant 480 : index
      %swap3A_442 = tpu.vector_load %arg8[%swap3A_440, %swap3A_441] {strides = array<i32>} : memref<64x768xf32, #tpu.memory_space<vmem>>, vector<1x16xf32>,
      %swap3A_443 = vector.shape_cast %swap3A_442 : vector<1x16xf32> to vector<16xf32>
      %swap3A_444 = vector.shape_cast %add3A_439 : vector<16xf32> to vector<1x16xf32>
      tpu.vector_store %arg8[%swap3A_440, %swap3A_441], %swap3A_444 {strides = array<i32>} : memref<64x768xf32, #tpu.memory_space<vmem>>, vector<1x16xf32>,
      %get3A_445 = arith.index_cast %scan3A_12 : i32 to index
      %get3A_446 = arith.constant 496 : index
      %get3A_447 = tpu.vector_load %arg8[%get3A_445, %get3A_446] {strides = array<i32>} : memref<64x768xf32, #tpu.memory_space<vmem>>, vector<1x16xf32>,
      %get3A_448 = vector.shape_cast %get3A_447 : vector<1x16xf32> to vector<16xf32>
      %get3A_449 = arith.index_cast %scan3A_12 : i32 to index
      %get3A_450 = arith.constant 496 : index
      %get3A_451 = tpu.vector_load %arg7[%get3A_449, %get3A_450] {strides = array<i32>} : memref<64x768xf32, #tpu.memory_space<vmem>>, vector<1x16xf32>,
      %get3A_452 = vector.shape_cast %get3A_451 : vector<1x16xf32> to vector<16xf32>
      %add3A_453 = arith.addf %get3A_448, %get3A_452 : vector<16xf32>
      %swap3A_454 = arith.index_cast %scan3A_12 : i32 to index
      %swap3A_455 = arith.constant 496 : index
      %swap3A_456 = tpu.vector_load %arg8[%swap3A_454, %swap3A_455] {strides = array<i32>} : memref<64x768xf32, #tpu.memory_space<vmem>>, vector<1x16xf32>,
      %swap3A_457 = vector.shape_cast %swap3A_456 : vector<1x16xf32> to vector<16xf32>
      %swap3A_458 = vector.shape_cast %add3A_453 : vector<16xf32> to vector<1x16xf32>
      tpu.vector_store %arg8[%swap3A_454, %swap3A_455], %swap3A_458 {strides = array<i32>} : memref<64x768xf32, #tpu.memory_space<vmem>>, vector<1x16xf32>,
      %get3A_459 = arith.index_cast %scan3A_12 : i32 to index
      %get3A_460 = arith.constant 512 : index
      %get3A_461 = tpu.vector_load %arg8[%get3A_459, %get3A_460] {strides = array<i32>} : memref<64x768xf32, #tpu.memory_space<vmem>>, vector<1x16xf32>,
      %get3A_462 = vector.shape_cast %get3A_461 : vector<1x16xf32> to vector<16xf32>
      %get3A_463 = arith.index_cast %scan3A_12 : i32 to index
      %get3A_464 = arith.constant 512 : index
      %get3A_465 = tpu.vector_load %arg7[%get3A_463, %get3A_464] {strides = array<i32>} : memref<64x768xf32, #tpu.memory_space<vmem>>, vector<1x16xf32>,
      %get3A_466 = vector.shape_cast %get3A_465 : vector<1x16xf32> to vector<16xf32>
      %add3A_467 = arith.addf %get3A_462, %get3A_466 : vector<16xf32>
      %swap3A_468 = arith.index_cast %scan3A_12 : i32 to index
      %swap3A_469 = arith.constant 512 : index
      %swap3A_470 = tpu.vector_load %arg8[%swap3A_468, %swap3A_469] {strides = array<i32>} : memref<64x768xf32, #tpu.memory_space<vmem>>, vector<1x16xf32>,
      %swap3A_471 = vector.shape_cast %swap3A_470 : vector<1x16xf32> to vector<16xf32>
      %swap3A_472 = vector.shape_cast %add3A_467 : vector<16xf32> to vector<1x16xf32>
      tpu.vector_store %arg8[%swap3A_468, %swap3A_469], %swap3A_472 {strides = array<i32>} : memref<64x768xf32, #tpu.memory_space<vmem>>, vector<1x16xf32>,
      %get3A_473 = arith.index_cast %scan3A_12 : i32 to index
      %get3A_474 = arith.constant 528 : index
      %get3A_475 = tpu.vector_load %arg8[%get3A_473, %get3A_474] {strides = array<i32>} : memref<64x768xf32, #tpu.memory_space<vmem>>, vector<1x16xf32>,
      %get3A_476 = vector.shape_cast %get3A_475 : vector<1x16xf32> to vector<16xf32>
      %get3A_477 = arith.index_cast %scan3A_12 : i32 to index
      %get3A_478 = arith.constant 528 : index
      %get3A_479 = tpu.vector_load %arg7[%get3A_477, %get3A_478] {strides = array<i32>} : memref<64x768xf32, #tpu.memory_space<vmem>>, vector<1x16xf32>,
      %get3A_480 = vector.shape_cast %get3A_479 : vector<1x16xf32> to vector<16xf32>
      %add3A_481 = arith.addf %get3A_476, %get3A_480 : vector<16xf32>
      %swap3A_482 = arith.index_cast %scan3A_12 : i32 to index
      %swap3A_483 = arith.constant 528 : index
      %swap3A_484 = tpu.vector_load %arg8[%swap3A_482, %swap3A_483] {strides = array<i32>} : memref<64x768xf32, #tpu.memory_space<vmem>>, vector<1x16xf32>,
      %swap3A_485 = vector.shape_cast %swap3A_484 : vector<1x16xf32> to vector<16xf32>
      %swap3A_486 = vector.shape_cast %add3A_481 : vector<16xf32> to vector<1x16xf32>
      tpu.vector_store %arg8[%swap3A_482, %swap3A_483], %swap3A_486 {strides = array<i32>} : memref<64x768xf32, #tpu.memory_space<vmem>>, vector<1x16xf32>,
      %get3A_487 = arith.index_cast %scan3A_12 : i32 to index
      %get3A_488 = arith.constant 544 : index
      %get3A_489 = tpu.vector_load %arg8[%get3A_487, %get3A_488] {strides = array<i32>} : memref<64x768xf32, #tpu.memory_space<vmem>>, vector<1x16xf32>,
      %get3A_490 = vector.shape_cast %get3A_489 : vector<1x16xf32> to vector<16xf32>
      %get3A_491 = arith.index_cast %scan3A_12 : i32 to index
      %get3A_492 = arith.constant 544 : index
      %get3A_493 = tpu.vector_load %arg7[%get3A_491, %get3A_492] {strides = array<i32>} : memref<64x768xf32, #tpu.memory_space<vmem>>, vector<1x16xf32>,
      %get3A_494 = vector.shape_cast %get3A_493 : vector<1x16xf32> to vector<16xf32>
      %add3A_495 = arith.addf %get3A_490, %get3A_494 : vector<16xf32>
      %swap3A_496 = arith.index_cast %scan3A_12 : i32 to index
      %swap3A_497 = arith.constant 544 : index
      %swap3A_498 = tpu.vector_load %arg8[%swap3A_496, %swap3A_497] {strides = array<i32>} : memref<64x768xf32, #tpu.memory_space<vmem>>, vector<1x16xf32>,
      %swap3A_499 = vector.shape_cast %swap3A_498 : vector<1x16xf32> to vector<16xf32>
      %swap3A_500 = vector.shape_cast %add3A_495 : vector<16xf32> to vector<1x16xf32>
      tpu.vector_store %arg8[%swap3A_496, %swap3A_497], %swap3A_500 {strides = array<i32>} : memref<64x768xf32, #tpu.memory_space<vmem>>, vector<1x16xf32>,
      %get3A_501 = arith.index_cast %scan3A_12 : i32 to index
      %get3A_502 = arith.constant 560 : index
      %get3A_503 = tpu.vector_load %arg8[%get3A_501, %get3A_502] {strides = array<i32>} : memref<64x768xf32, #tpu.memory_space<vmem>>, vector<1x16xf32>,
      %get3A_504 = vector.shape_cast %get3A_503 : vector<1x16xf32> to vector<16xf32>
      %get3A_505 = arith.index_cast %scan3A_12 : i32 to index
      %get3A_506 = arith.constant 560 : index
      %get3A_507 = tpu.vector_load %arg7[%get3A_505, %get3A_506] {strides = array<i32>} : memref<64x768xf32, #tpu.memory_space<vmem>>, vector<1x16xf32>,
      %get3A_508 = vector.shape_cast %get3A_507 : vector<1x16xf32> to vector<16xf32>
      %add3A_509 = arith.addf %get3A_504, %get3A_508 : vector<16xf32>
      %swap3A_510 = arith.index_cast %scan3A_12 : i32 to index
      %swap3A_511 = arith.constant 560 : index
      %swap3A_512 = tpu.vector_load %arg8[%swap3A_510, %swap3A_511] {strides = array<i32>} : memref<64x768xf32, #tpu.memory_space<vmem>>, vector<1x16xf32>,
      %swap3A_513 = vector.shape_cast %swap3A_512 : vector<1x16xf32> to vector<16xf32>
      %swap3A_514 = vector.shape_cast %add3A_509 : vector<16xf32> to vector<1x16xf32>
      tpu.vector_store %arg8[%swap3A_510, %swap3A_511], %swap3A_514 {strides = array<i32>} : memref<64x768xf32, #tpu.memory_space<vmem>>, vector<1x16xf32>,
      %get3A_515 = arith.index_cast %scan3A_12 : i32 to index
      %get3A_516 = arith.constant 576 : index
      %get3A_517 = tpu.vector_load %arg8[%get3A_515, %get3A_516] {strides = array<i32>} : memref<64x768xf32, #tpu.memory_space<vmem>>, vector<1x16xf32>,
      %get3A_518 = vector.shape_cast %get3A_517 : vector<1x16xf32> to vector<16xf32>
      %get3A_519 = arith.index_cast %scan3A_12 : i32 to index
      %get3A_520 = arith.constant 576 : index
      %get3A_521 = tpu.vector_load %arg7[%get3A_519, %get3A_520] {strides = array<i32>} : memref<64x768xf32, #tpu.memory_space<vmem>>, vector<1x16xf32>,
      %get3A_522 = vector.shape_cast %get3A_521 : vector<1x16xf32> to vector<16xf32>
      %add3A_523 = arith.addf %get3A_518, %get3A_522 : vector<16xf32>
      %swap3A_524 = arith.index_cast %scan3A_12 : i32 to index
      %swap3A_525 = arith.constant 576 : index
      %swap3A_526 = tpu.vector_load %arg8[%swap3A_524, %swap3A_525] {strides = array<i32>} : memref<64x768xf32, #tpu.memory_space<vmem>>, vector<1x16xf32>,
      %swap3A_527 = vector.shape_cast %swap3A_526 : vector<1x16xf32> to vector<16xf32>
      %swap3A_528 = vector.shape_cast %add3A_523 : vector<16xf32> to vector<1x16xf32>
      tpu.vector_store %arg8[%swap3A_524, %swap3A_525], %swap3A_528 {strides = array<i32>} : memref<64x768xf32, #tpu.memory_space<vmem>>, vector<1x16xf32>,
      %get3A_529 = arith.index_cast %scan3A_12 : i32 to index
      %get3A_530 = arith.constant 592 : index
      %get3A_531 = tpu.vector_load %arg8[%get3A_529, %get3A_530] {strides = array<i32>} : memref<64x768xf32, #tpu.memory_space<vmem>>, vector<1x16xf32>,
      %get3A_532 = vector.shape_cast %get3A_531 : vector<1x16xf32> to vector<16xf32>
      %get3A_533 = arith.index_cast %scan3A_12 : i32 to index
      %get3A_534 = arith.constant 592 : index
      %get3A_535 = tpu.vector_load %arg7[%get3A_533, %get3A_534] {strides = array<i32>} : memref<64x768xf32, #tpu.memory_space<vmem>>, vector<1x16xf32>,
      %get3A_536 = vector.shape_cast %get3A_535 : vector<1x16xf32> to vector<16xf32>
      %add3A_537 = arith.addf %get3A_532, %get3A_536 : vector<16xf32>
      %swap3A_538 = arith.index_cast %scan3A_12 : i32 to index
      %swap3A_539 = arith.constant 592 : index
      %swap3A_540 = tpu.vector_load %arg8[%swap3A_538, %swap3A_539] {strides = array<i32>} : memref<64x768xf32, #tpu.memory_space<vmem>>, vector<1x16xf32>,
      %swap3A_541 = vector.shape_cast %swap3A_540 : vector<1x16xf32> to vector<16xf32>
      %swap3A_542 = vector.shape_cast %add3A_537 : vector<16xf32> to vector<1x16xf32>
      tpu.vector_store %arg8[%swap3A_538, %swap3A_539], %swap3A_542 {strides = array<i32>} : memref<64x768xf32, #tpu.memory_space<vmem>>, vector<1x16xf32>,
      %get3A_543 = arith.index_cast %scan3A_12 : i32 to index
      %get3A_544 = arith.constant 608 : index
      %get3A_545 = tpu.vector_load %arg8[%get3A_543, %get3A_544] {strides = array<i32>} : memref<64x768xf32, #tpu.memory_space<vmem>>, vector<1x16xf32>,
      %get3A_546 = vector.shape_cast %get3A_545 : vector<1x16xf32> to vector<16xf32>
      %get3A_547 = arith.index_cast %scan3A_12 : i32 to index
      %get3A_548 = arith.constant 608 : index
      %get3A_549 = tpu.vector_load %arg7[%get3A_547, %get3A_548] {strides = array<i32>} : memref<64x768xf32, #tpu.memory_space<vmem>>, vector<1x16xf32>,
      %get3A_550 = vector.shape_cast %get3A_549 : vector<1x16xf32> to vector<16xf32>
      %add3A_551 = arith.addf %get3A_546, %get3A_550 : vector<16xf32>
      %swap3A_552 = arith.index_cast %scan3A_12 : i32 to index
      %swap3A_553 = arith.constant 608 : index
      %swap3A_554 = tpu.vector_load %arg8[%swap3A_552, %swap3A_553] {strides = array<i32>} : memref<64x768xf32, #tpu.memory_space<vmem>>, vector<1x16xf32>,
      %swap3A_555 = vector.shape_cast %swap3A_554 : vector<1x16xf32> to vector<16xf32>
      %swap3A_556 = vector.shape_cast %add3A_551 : vector<16xf32> to vector<1x16xf32>
      tpu.vector_store %arg8[%swap3A_552, %swap3A_553], %swap3A_556 {strides = array<i32>} : memref<64x768xf32, #tpu.memory_space<vmem>>, vector<1x16xf32>,
      %get3A_557 = arith.index_cast %scan3A_12 : i32 to index
      %get3A_558 = arith.constant 624 : index
      %get3A_559 = tpu.vector_load %arg8[%get3A_557, %get3A_558] {strides = array<i32>} : memref<64x768xf32, #tpu.memory_space<vmem>>, vector<1x16xf32>,
      %get3A_560 = vector.shape_cast %get3A_559 : vector<1x16xf32> to vector<16xf32>
      %get3A_561 = arith.index_cast %scan3A_12 : i32 to index
      %get3A_562 = arith.constant 624 : index
      %get3A_563 = tpu.vector_load %arg7[%get3A_561, %get3A_562] {strides = array<i32>} : memref<64x768xf32, #tpu.memory_space<vmem>>, vector<1x16xf32>,
      %get3A_564 = vector.shape_cast %get3A_563 : vector<1x16xf32> to vector<16xf32>
      %add3A_565 = arith.addf %get3A_560, %get3A_564 : vector<16xf32>
      %swap3A_566 = arith.index_cast %scan3A_12 : i32 to index
      %swap3A_567 = arith.constant 624 : index
      %swap3A_568 = tpu.vector_load %arg8[%swap3A_566, %swap3A_567] {strides = array<i32>} : memref<64x768xf32, #tpu.memory_space<vmem>>, vector<1x16xf32>,
      %swap3A_569 = vector.shape_cast %swap3A_568 : vector<1x16xf32> to vector<16xf32>
      %swap3A_570 = vector.shape_cast %add3A_565 : vector<16xf32> to vector<1x16xf32>
      tpu.vector_store %arg8[%swap3A_566, %swap3A_567], %swap3A_570 {strides = array<i32>} : memref<64x768xf32, #tpu.memory_space<vmem>>, vector<1x16xf32>,
      %get3A_571 = arith.index_cast %scan3A_12 : i32 to index
      %get3A_572 = arith.constant 640 : index
      %get3A_573 = tpu.vector_load %arg8[%get3A_571, %get3A_572] {strides = array<i32>} : memref<64x768xf32, #tpu.memory_space<vmem>>, vector<1x16xf32>,
      %get3A_574 = vector.shape_cast %get3A_573 : vector<1x16xf32> to vector<16xf32>
      %get3A_575 = arith.index_cast %scan3A_12 : i32 to index
      %get3A_576 = arith.constant 640 : index
      %get3A_577 = tpu.vector_load %arg7[%get3A_575, %get3A_576] {strides = array<i32>} : memref<64x768xf32, #tpu.memory_space<vmem>>, vector<1x16xf32>,
      %get3A_578 = vector.shape_cast %get3A_577 : vector<1x16xf32> to vector<16xf32>
      %add3A_579 = arith.addf %get3A_574, %get3A_578 : vector<16xf32>
      %swap3A_580 = arith.index_cast %scan3A_12 : i32 to index
      %swap3A_581 = arith.constant 640 : index
      %swap3A_582 = tpu.vector_load %arg8[%swap3A_580, %swap3A_581] {strides = array<i32>} : memref<64x768xf32, #tpu.memory_space<vmem>>, vector<1x16xf32>,
      %swap3A_583 = vector.shape_cast %swap3A_582 : vector<1x16xf32> to vector<16xf32>
      %swap3A_584 = vector.shape_cast %add3A_579 : vector<16xf32> to vector<1x16xf32>
      tpu.vector_store %arg8[%swap3A_580, %swap3A_581], %swap3A_584 {strides = array<i32>} : memref<64x768xf32, #tpu.memory_space<vmem>>, vector<1x16xf32>,
      %get3A_585 = arith.index_cast %scan3A_12 : i32 to index
      %get3A_586 = arith.constant 656 : index
      %get3A_587 = tpu.vector_load %arg8[%get3A_585, %get3A_586] {strides = array<i32>} : memref<64x768xf32, #tpu.memory_space<vmem>>, vector<1x16xf32>,
      %get3A_588 = vector.shape_cast %get3A_587 : vector<1x16xf32> to vector<16xf32>
      %get3A_589 = arith.index_cast %scan3A_12 : i32 to index
      %get3A_590 = arith.constant 656 : index
      %get3A_591 = tpu.vector_load %arg7[%get3A_589, %get3A_590] {strides = array<i32>} : memref<64x768xf32, #tpu.memory_space<vmem>>, vector<1x16xf32>,
      %get3A_592 = vector.shape_cast %get3A_591 : vector<1x16xf32> to vector<16xf32>
      %add3A_593 = arith.addf %get3A_588, %get3A_592 : vector<16xf32>
      %swap3A_594 = arith.index_cast %scan3A_12 : i32 to index
      %swap3A_595 = arith.constant 656 : index
      %swap3A_596 = tpu.vector_load %arg8[%swap3A_594, %swap3A_595] {strides = array<i32>} : memref<64x768xf32, #tpu.memory_space<vmem>>, vector<1x16xf32>,
      %swap3A_597 = vector.shape_cast %swap3A_596 : vector<1x16xf32> to vector<16xf32>
      %swap3A_598 = vector.shape_cast %add3A_593 : vector<16xf32> to vector<1x16xf32>
      tpu.vector_store %arg8[%swap3A_594, %swap3A_595], %swap3A_598 {strides = array<i32>} : memref<64x768xf32, #tpu.memory_space<vmem>>, vector<1x16xf32>,
      %get3A_599 = arith.index_cast %scan3A_12 : i32 to index
      %get3A_600 = arith.constant 672 : index
      %get3A_601 = tpu.vector_load %arg8[%get3A_599, %get3A_600] {strides = array<i32>} : memref<64x768xf32, #tpu.memory_space<vmem>>, vector<1x16xf32>,
      %get3A_602 = vector.shape_cast %get3A_601 : vector<1x16xf32> to vector<16xf32>
      %get3A_603 = arith.index_cast %scan3A_12 : i32 to index
      %get3A_604 = arith.constant 672 : index
      %get3A_605 = tpu.vector_load %arg7[%get3A_603, %get3A_604] {strides = array<i32>} : memref<64x768xf32, #tpu.memory_space<vmem>>, vector<1x16xf32>,
      %get3A_606 = vector.shape_cast %get3A_605 : vector<1x16xf32> to vector<16xf32>
      %add3A_607 = arith.addf %get3A_602, %get3A_606 : vector<16xf32>
      %swap3A_608 = arith.index_cast %scan3A_12 : i32 to index
      %swap3A_609 = arith.constant 672 : index
      %swap3A_610 = tpu.vector_load %arg8[%swap3A_608, %swap3A_609] {strides = array<i32>} : memref<64x768xf32, #tpu.memory_space<vmem>>, vector<1x16xf32>,
      %swap3A_611 = vector.shape_cast %swap3A_610 : vector<1x16xf32> to vector<16xf32>
      %swap3A_612 = vector.shape_cast %add3A_607 : vector<16xf32> to vector<1x16xf32>
      tpu.vector_store %arg8[%swap3A_608, %swap3A_609], %swap3A_612 {strides = array<i32>} : memref<64x768xf32, #tpu.memory_space<vmem>>, vector<1x16xf32>,
      %get3A_613 = arith.index_cast %scan3A_12 : i32 to index
      %get3A_614 = arith.constant 688 : index
      %get3A_615 = tpu.vector_load %arg8[%get3A_613, %get3A_614] {strides = array<i32>} : memref<64x768xf32, #tpu.memory_space<vmem>>, vector<1x16xf32>,
      %get3A_616 = vector.shape_cast %get3A_615 : vector<1x16xf32> to vector<16xf32>
      %get3A_617 = arith.index_cast %scan3A_12 : i32 to index
      %get3A_618 = arith.constant 688 : index
      %get3A_619 = tpu.vector_load %arg7[%get3A_617, %get3A_618] {strides = array<i32>} : memref<64x768xf32, #tpu.memory_space<vmem>>, vector<1x16xf32>,
      %get3A_620 = vector.shape_cast %get3A_619 : vector<1x16xf32> to vector<16xf32>
      %add3A_621 = arith.addf %get3A_616, %get3A_620 : vector<16xf32>
      %swap3A_622 = arith.index_cast %scan3A_12 : i32 to index
      %swap3A_623 = arith.constant 688 : index
      %swap3A_624 = tpu.vector_load %arg8[%swap3A_622, %swap3A_623] {strides = array<i32>} : memref<64x768xf32, #tpu.memory_space<vmem>>, vector<1x16xf32>,
      %swap3A_625 = vector.shape_cast %swap3A_624 : vector<1x16xf32> to vector<16xf32>
      %swap3A_626 = vector.shape_cast %add3A_621 : vector<16xf32> to vector<1x16xf32>
      tpu.vector_store %arg8[%swap3A_622, %swap3A_623], %swap3A_626 {strides = array<i32>} : memref<64x768xf32, #tpu.memory_space<vmem>>, vector<1x16xf32>,
      %get3A_627 = arith.index_cast %scan3A_12 : i32 to index
      %get3A_628 = arith.constant 704 : index
      %get3A_629 = tpu.vector_load %arg8[%get3A_627, %get3A_628] {strides = array<i32>} : memref<64x768xf32, #tpu.memory_space<vmem>>, vector<1x16xf32>,
      %get3A_630 = vector.shape_cast %get3A_629 : vector<1x16xf32> to vector<16xf32>
      %get3A_631 = arith.index_cast %scan3A_12 : i32 to index
      %get3A_632 = arith.constant 704 : index
      %get3A_633 = tpu.vector_load %arg7[%get3A_631, %get3A_632] {strides = array<i32>} : memref<64x768xf32, #tpu.memory_space<vmem>>, vector<1x16xf32>,
      %get3A_634 = vector.shape_cast %get3A_633 : vector<1x16xf32> to vector<16xf32>
      %add3A_635 = arith.addf %get3A_630, %get3A_634 : vector<16xf32>
      %swap3A_636 = arith.index_cast %scan3A_12 : i32 to index
      %swap3A_637 = arith.constant 704 : index
      %swap3A_638 = tpu.vector_load %arg8[%swap3A_636, %swap3A_637] {strides = array<i32>} : memref<64x768xf32, #tpu.memory_space<vmem>>, vector<1x16xf32>,
      %swap3A_639 = vector.shape_cast %swap3A_638 : vector<1x16xf32> to vector<16xf32>
      %swap3A_640 = vector.shape_cast %add3A_635 : vector<16xf32> to vector<1x16xf32>
      tpu.vector_store %arg8[%swap3A_636, %swap3A_637], %swap3A_640 {strides = array<i32>} : memref<64x768xf32, #tpu.memory_space<vmem>>, vector<1x16xf32>,
      %get3A_641 = arith.index_cast %scan3A_12 : i32 to index
      %get3A_642 = arith.constant 720 : index
      %get3A_643 = tpu.vector_load %arg8[%get3A_641, %get3A_642] {strides = array<i32>} : memref<64x768xf32, #tpu.memory_space<vmem>>, vector<1x16xf32>,
      %get3A_644 = vector.shape_cast %get3A_643 : vector<1x16xf32> to vector<16xf32>
      %get3A_645 = arith.index_cast %scan3A_12 : i32 to index
      %get3A_646 = arith.constant 720 : index
      %get3A_647 = tpu.vector_load %arg7[%get3A_645, %get3A_646] {strides = array<i32>} : memref<64x768xf32, #tpu.memory_space<vmem>>, vector<1x16xf32>,
      %get3A_648 = vector.shape_cast %get3A_647 : vector<1x16xf32> to vector<16xf32>
      %add3A_649 = arith.addf %get3A_644, %get3A_648 : vector<16xf32>
      %swap3A_650 = arith.index_cast %scan3A_12 : i32 to index
      %swap3A_651 = arith.constant 720 : index
      %swap3A_652 = tpu.vector_load %arg8[%swap3A_650, %swap3A_651] {strides = array<i32>} : memref<64x768xf32, #tpu.memory_space<vmem>>, vector<1x16xf32>,
      %swap3A_653 = vector.shape_cast %swap3A_652 : vector<1x16xf32> to vector<16xf32>
      %swap3A_654 = vector.shape_cast %add3A_649 : vector<16xf32> to vector<1x16xf32>
      tpu.vector_store %arg8[%swap3A_650, %swap3A_651], %swap3A_654 {strides = array<i32>} : memref<64x768xf32, #tpu.memory_space<vmem>>, vector<1x16xf32>,
      %get3A_655 = arith.index_cast %scan3A_12 : i32 to index
      %get3A_656 = arith.constant 736 : index
      %get3A_657 = tpu.vector_load %arg8[%get3A_655, %get3A_656] {strides = array<i32>} : memref<64x768xf32, #tpu.memory_space<vmem>>, vector<1x16xf32>,
      %get3A_658 = vector.shape_cast %get3A_657 : vector<1x16xf32> to vector<16xf32>
      %get3A_659 = arith.index_cast %scan3A_12 : i32 to index
      %get3A_660 = arith.constant 736 : index
      %get3A_661 = tpu.vector_load %arg7[%get3A_659, %get3A_660] {strides = array<i32>} : memref<64x768xf32, #tpu.memory_space<vmem>>, vector<1x16xf32>,
      %get3A_662 = vector.shape_cast %get3A_661 : vector<1x16xf32> to vector<16xf32>
      %add3A_663 = arith.addf %get3A_658, %get3A_662 : vector<16xf32>
      %swap3A_664 = arith.index_cast %scan3A_12 : i32 to index
      %swap3A_665 = arith.constant 736 : index
      %swap3A_666 = tpu.vector_load %arg8[%swap3A_664, %swap3A_665] {strides = array<i32>} : memref<64x768xf32, #tpu.memory_space<vmem>>, vector<1x16xf32>,
      %swap3A_667 = vector.shape_cast %swap3A_666 : vector<1x16xf32> to vector<16xf32>
      %swap3A_668 = vector.shape_cast %add3A_663 : vector<16xf32> to vector<1x16xf32>
      tpu.vector_store %arg8[%swap3A_664, %swap3A_665], %swap3A_668 {strides = array<i32>} : memref<64x768xf32, #tpu.memory_space<vmem>>, vector<1x16xf32>,
      %get3A_669 = arith.index_cast %scan3A_12 : i32 to index
      %get3A_670 = arith.constant 752 : index
      %get3A_671 = tpu.vector_load %arg8[%get3A_669, %get3A_670] {strides = array<i32>} : memref<64x768xf32, #tpu.memory_space<vmem>>, vector<1x16xf32>,
      %get3A_672 = vector.shape_cast %get3A_671 : vector<1x16xf32> to vector<16xf32>
      %get3A_673 = arith.index_cast %scan3A_12 : i32 to index
      %get3A_674 = arith.constant 752 : index
      %get3A_675 = tpu.vector_load %arg7[%get3A_673, %get3A_674] {strides = array<i32>} : memref<64x768xf32, #tpu.memory_space<vmem>>, vector<1x16xf32>,
      %get3A_676 = vector.shape_cast %get3A_675 : vector<1x16xf32> to vector<16xf32>
      %add3A_677 = arith.addf %get3A_672, %get3A_676 : vector<16xf32>
      %swap3A_678 = arith.index_cast %scan3A_12 : i32 to index
      %swap3A_679 = arith.constant 752 : index
      %swap3A_680 = tpu.vector_load %arg8[%swap3A_678, %swap3A_679] {strides = array<i32>} : memref<64x768xf32, #tpu.memory_space<vmem>>, vector<1x16xf32>,
      %swap3A_681 = vector.shape_cast %swap3A_680 : vector<1x16xf32> to vector<16xf32>
      %swap3A_682 = vector.shape_cast %add3A_677 : vector<16xf32> to vector<1x16xf32>
      tpu.vector_store %arg8[%swap3A_678, %swap3A_679], %swap3A_682 {strides = array<i32>} : memref<64x768xf32, #tpu.memory_space<vmem>>, vector<1x16xf32>,
    }
    %scan3A_11 = arith.constant 64 : i32
    %run_scoped3A = arith.constant 0 : i32
    "tpu.region"() ({
      %run_scoped3A_12 = tpu.sem_alloc : memref<!tpu.dma_semaphore, #tpu.memory_space<semaphore_mem>>
      %dma_start3A_13 = arith.constant 0 : i32
      %dma_start3A_14 = tpu.memref_slice %arg5[%run_scoped3A, %mul3A_2, %dma_start3A_13] : memref<1x2048x768xf32, #tpu.memory_space<hbm>> -> memref<1x64x768xf32, #tpu.memory_space<hbm>>
      %dma_start3A_15 = tpu.memref_squeeze %dma_start3A_14 : memref<1x64x768xf32, #tpu.memory_space<hbm>> -> memref<64x768xf32, #tpu.memory_space<hbm>>
      %dma_start3A_16 = arith.constant 0 : i32
      %dma_start3A_17 = tpu.memref_slice %arg5[%run_scoped3A, %mul3A_2, %dma_start3A_16] : memref<1x2048x768xf32, #tpu.memory_space<hbm>> -> memref<1x64x768xf32, #tpu.memory_space<hbm>>
      %dma_start3A_18 = tpu.memref_squeeze %dma_start3A_17 : memref<1x64x768xf32, #tpu.memory_space<hbm>> -> memref<64x768xf32, #tpu.memory_space<hbm>>
      tpu.enqueue_dma source(%arg8 : memref<64x768xf32, #tpu.memory_space<vmem>>) target(%dma_start3A_18 : memref<64x768xf32, #tpu.memory_space<hbm>>) target_semaphore(%run_scoped3A_12 : memref<!tpu.dma_semaphore, #tpu.memory_space<semaphore_mem>>)
      %dma_wait3A_19 = arith.constant 0 : i32
      %dma_wait3A_20 = tpu.memref_slice %arg5[%run_scoped3A, %mul3A_2, %dma_wait3A_19] : memref<1x2048x768xf32, #tpu.memory_space<hbm>> -> memref<1x64x768xf32, #tpu.memory_space<hbm>>
      %dma_wait3A_21 = tpu.memref_squeeze %dma_wait3A_20 : memref<1x64x768xf32, #tpu.memory_space<hbm>> -> memref<64x768xf32, #tpu.memory_space<hbm>>
      %dma_wait3A_22 = arith.constant 0 : i32
      %dma_wait3A_23 = tpu.memref_slice %arg5[%run_scoped3A, %mul3A_2, %dma_wait3A_22] : memref<1x2048x768xf32, #tpu.memory_space<hbm>> -> memref<1x64x768xf32, #tpu.memory_space<hbm>>
      %dma_wait3A_24 = tpu.memref_squeeze %dma_wait3A_23 : memref<1x64x768xf32, #tpu.memory_space<hbm>> -> memref<64x768xf32, #tpu.memory_space<hbm>>
      tpu.wait_dma2 semaphore(%run_scoped3A_12 : memref<!tpu.dma_semaphore, #tpu.memory_space<semaphore_mem>>) src(%arg8 : memref<64x768xf32, #tpu.memory_space<vmem>>) dst(%dma_wait3A_24 : memref<64x768xf32, #tpu.memory_space<hbm>>)
      tpu.yield
    }) : () -> ()
    return
  }
}

module attributes {stable_mosaic.version = 14 : i64} {
  func.func @_gate_body(%arg0: memref<2048x64xf32, #tpu.memory_space<vmem>>, %arg1: memref<2048x1xf32, #tpu.memory_space<vmem>>, %arg2: memref<1x2048xf32, #tpu.memory_space<vmem>>, %arg3: memref<2048x1xi32, #tpu.memory_space<vmem>>, %arg4: memref<2048x1xi32, #tpu.memory_space<vmem>>, %arg5: memref<1x1xf32, #tpu.memory_space<vmem>>) attributes {dimension_semantics = [], scalar_prefetch = 0 : i64, scratch_operands = 0 : i64, tpu.core_type = #tpu.core_type<tc>} {
    %get3A = arith.constant 0 : index
    %get3A_0 = arith.constant 0 : index
    %get3A_1 = vector.load %arg0[%get3A, %get3A_0] : memref<2048x64xf32, #tpu.memory_space<vmem>>, vector<2048x64xf32>
    %get3A_2 = arith.constant 0 : index
    %get3A_3 = arith.constant 0 : index
    %get3A_4 = vector.load %arg1[%get3A_2, %get3A_3] : memref<2048x1xf32, #tpu.memory_space<vmem>>, vector<2048x1xf32>
    %get3A_5 = arith.constant 0 : index
    %get3A_6 = arith.constant 0 : index
    %get3A_7 = vector.load %arg2[%get3A_5, %get3A_6] : memref<1x2048xf32, #tpu.memory_space<vmem>>, vector<1x2048xf32>
    %get3A_8 = arith.constant 0 : index
    %get3A_9 = arith.constant 0 : index
    %get3A_10 = vector.load %arg3[%get3A_8, %get3A_9] : memref<2048x1xi32, #tpu.memory_space<vmem>>, vector<2048x1xi32>
    %iota3A = tpu.iota {dimensions = array<i32: 1>} : vector<2048x64xi32>
    %eq3A = vector.broadcast %get3A_10 : vector<2048x1xi32> to vector<2048x64xi32>
    %eq3A_11 = arith.cmpi eq, %iota3A, %eq3A : vector<2048x64xi32>
    %convert_element_type3A = arith.extui %eq3A_11 : vector<2048x64xi1> to vector<2048x64xi32>
    %convert_element_type3A_12 = arith.sitofp %convert_element_type3A : vector<2048x64xi32> to vector<2048x64xf32>
    %iota3A_13 = tpu.iota {dimensions = array<i32: 0>} : vector<2048x2048xi32>
    %iota3A_14 = tpu.iota {dimensions = array<i32: 1>} : vector<2048x2048xi32>
    %gt3A = vector.broadcast %get3A_7 : vector<1x2048xf32> to vector<2048x2048xf32>
    %gt3A_15 = vector.broadcast %get3A_4 : vector<2048x1xf32> to vector<2048x2048xf32>
    %gt3A_16 = arith.cmpf ogt, %gt3A, %gt3A_15 : vector<2048x2048xf32>
    %eq3A_17 = vector.broadcast %get3A_7 : vector<1x2048xf32> to vector<2048x2048xf32>
    %eq3A_18 = vector.broadcast %get3A_4 : vector<2048x1xf32> to vector<2048x2048xf32>
    %eq3A_19 = arith.cmpf oeq, %eq3A_17, %eq3A_18 : vector<2048x2048xf32>
    %lt3A = arith.cmpi slt, %iota3A_14, %iota3A_13 : vector<2048x2048xi32>
    %and3A = arith.andi %eq3A_19, %lt3A : vector<2048x2048xi1>
    %or3A = arith.ori %gt3A_16, %and3A : vector<2048x2048xi1>
    %convert_element_type3A_20 = arith.extui %or3A : vector<2048x2048xi1> to vector<2048x2048xi32>
    %convert_element_type3A_21 = arith.sitofp %convert_element_type3A_20 : vector<2048x2048xi32> to vector<2048x2048xf32>
    %convert_element_type3A_22 = arith.truncf %convert_element_type3A_21 : vector<2048x2048xf32> to vector<2048x2048xbf16>
    %convert_element_type3A_23 = arith.truncf %convert_element_type3A_12 : vector<2048x64xf32> to vector<2048x64xbf16>
    %dot_general3A = arith.constant dense<0.000000e+00> : vector<2048x64xf32>
    %dot_general3A_24 = tpu.matmul %convert_element_type3A_22, %convert_element_type3A_23, %dot_general3A {dimension_numbers = #tpu.dot_dimension_numbers<[1], [0], [0], [1], [0, 0, 1, 1], [], []>, transpose_lhs_hint = false} : vector<2048x2048xbf16>, vector<2048x64xbf16>, vector<2048x64xf32> -> vector<2048x64xf32>
    %mul3A = arith.mulf %convert_element_type3A_12, %dot_general3A_24 : vector<2048x64xf32>
    %reduce_sum3A = arith.constant dense<0.000000e+00> : vector<2048xf32>
    %reduce_sum3A_25 = vector.multi_reduction <add>, %mul3A, %reduce_sum3A [1] : vector<2048x64xf32> to vector<2048xf32>
    %broadcast_in_dim3A = vector.shape_cast %reduce_sum3A_25 : vector<2048xf32> to vector<2048x1xf32>
    %convert_element_type3A_26 = arith.fptosi %broadcast_in_dim3A : vector<2048x1xf32> to vector<2048x1xi32>
    %iota3A_27 = tpu.iota {dimensions = array<i32: 0>} : vector<2048x1xi32>
    %and3A_28 = arith.constant 63 : i32
    %and3A_29 = vector.broadcast %and3A_28 : i32 to vector<2048x1xi32>
    %and3A_30 = arith.andi %iota3A_27, %and3A_29 : vector<2048x1xi32>
    %add3A = arith.constant 2560 : i32
    %add3A_31 = vector.broadcast %add3A : i32 to vector<2048x1xi32>
    %add3A_32 = arith.addi %add3A_31, %and3A_30 : vector<2048x1xi32>
    %lt3A_33 = arith.constant 40 : i32
    %lt3A_34 = vector.broadcast %lt3A_33 : i32 to vector<2048x1xi32>
    %lt3A_35 = arith.cmpi slt, %convert_element_type3A_26, %lt3A_34 : vector<2048x1xi32>
    %mul3A_36 = arith.constant 40 : i32
    %mul3A_37 = vector.broadcast %mul3A_36 : i32 to vector<2048x1xi32>
    %mul3A_38 = arith.muli %get3A_10, %mul3A_37 : vector<2048x1xi32>
    %add3A_39 = arith.addi %mul3A_38, %convert_element_type3A_26 : vector<2048x1xi32>
    %select_n3A = arith.select %lt3A_35, %add3A_39, %add3A_32 : vector<2048x1xi1>, vector<2048x1xi32>
    %swap3A = arith.constant 0 : index
    %swap3A_40 = arith.constant 0 : index
    %swap3A_41 = vector.load %arg4[%swap3A, %swap3A_40] : memref<2048x1xi32, #tpu.memory_space<vmem>>, vector<2048x1xi32>
    tpu.vector_store %arg4[%swap3A, %swap3A_40], %select_n3A {strides = array<i32>} : memref<2048x1xi32, #tpu.memory_space<vmem>>, vector<2048x1xi32>,
    %reduce_sum3A_42 = arith.constant dense<0.000000e+00> : vector<64xf32>
    %reduce_sum3A_43 = vector.multi_reduction <add>, %convert_element_type3A_12, %reduce_sum3A_42 [0] : vector<2048x64xf32> to vector<64xf32>
    %broadcast_in_dim3A_44 = vector.shape_cast %reduce_sum3A_43 : vector<64xf32> to vector<1x64xf32>
    %reduce_sum3A_45 = arith.constant dense<0.000000e+00> : vector<64xf32>
    %reduce_sum3A_46 = vector.multi_reduction <add>, %get3A_1, %reduce_sum3A_45 [0] : vector<2048x64xf32> to vector<64xf32>
    %broadcast_in_dim3A_47 = vector.shape_cast %reduce_sum3A_46 : vector<64xf32> to vector<1x64xf32>
    %div3A = arith.constant 2.048000e+03 : f32
    %div3A_48 = vector.broadcast %div3A : f32 to vector<1x64xf32>
    %div3A_49 = arith.divf %broadcast_in_dim3A_47, %div3A_48 : vector<1x64xf32>
    %div3A_50 = arith.constant 2.048000e+03 : f32
    %div3A_51 = vector.broadcast %div3A_50 : f32 to vector<1x64xf32>
    %div3A_52 = arith.divf %broadcast_in_dim3A_44, %div3A_51 : vector<1x64xf32>
    %mul3A_53 = arith.mulf %div3A_49, %div3A_52 : vector<1x64xf32>
    %reduce_sum3A_54 = vector.shape_cast %mul3A_53 : vector<1x64xf32> to vector<1x1x64xf32>
    %reduce_sum3A_55 = arith.constant dense<0.000000e+00> : vector<1xf32>
    %reduce_sum3A_56 = vector.multi_reduction <add>, %reduce_sum3A_54, %reduce_sum3A_55 [1, 2] : vector<1x1x64xf32> to vector<1xf32>
    %reduce_sum3A_57 = vector.shape_cast %reduce_sum3A_56 : vector<1xf32> to vector<1x1x1xf32>
    %reduce_sum3A_58 = vector.extract %reduce_sum3A_57[0, 0, 0] : f32 from vector<1x1x1xf32>
    %mul3A_59 = arith.constant 6.400000e+01 : f32
    %mul3A_60 = arith.mulf %mul3A_59, %reduce_sum3A_58 : f32
    %reduce_sum3A_61 = vector.shape_cast %broadcast_in_dim3A_47 : vector<1x64xf32> to vector<1x1x64xf32>
    %reduce_sum3A_62 = arith.constant dense<0.000000e+00> : vector<1xf32>
    %reduce_sum3A_63 = vector.multi_reduction <add>, %reduce_sum3A_61, %reduce_sum3A_62 [1, 2] : vector<1x1x64xf32> to vector<1xf32>
    %reduce_sum3A_64 = vector.shape_cast %reduce_sum3A_63 : vector<1xf32> to vector<1x1x1xf32>
    %reduce_sum3A_65 = vector.extract %reduce_sum3A_64[0, 0, 0] : f32 from vector<1x1x1xf32>
    %div3A_66 = arith.constant 6.400000e+01 : f32
    %div3A_67 = arith.divf %reduce_sum3A_65, %div3A_66 : f32
    %sub3A = vector.broadcast %div3A_67 : f32 to vector<1x64xf32>
    %sub3A_68 = arith.subf %broadcast_in_dim3A_47, %sub3A : vector<1x64xf32>
    %integer_pow3A = arith.mulf %sub3A_68, %sub3A_68 : vector<1x64xf32>
    %reduce_sum3A_69 = vector.shape_cast %integer_pow3A : vector<1x64xf32> to vector<1x1x64xf32>
    %reduce_sum3A_70 = arith.constant dense<0.000000e+00> : vector<1xf32>
    %reduce_sum3A_71 = vector.multi_reduction <add>, %reduce_sum3A_69, %reduce_sum3A_70 [1, 2] : vector<1x1x64xf32> to vector<1xf32>
    %reduce_sum3A_72 = vector.shape_cast %reduce_sum3A_71 : vector<1xf32> to vector<1x1x1xf32>
    %reduce_sum3A_73 = vector.extract %reduce_sum3A_72[0, 0, 0] : f32 from vector<1x1x1xf32>
    %div3A_74 = arith.constant 6.300000e+01 : f32
    %div3A_75 = arith.divf %reduce_sum3A_73, %div3A_74 : f32
    %sqrt3A = math.sqrt %div3A_75 : f32
    %add3A_76 = arith.constant 1.000000e-10 : f32
    %add3A_77 = arith.addf %div3A_67, %add3A_76 : f32
    %div3A_78 = arith.divf %sqrt3A, %add3A_77 : f32
    %mul3A_79 = arith.constant 0.00999999977 : f32
    %mul3A_80 = arith.mulf %mul3A_79, %div3A_78 : f32
    %add3A_81 = arith.addf %mul3A_60, %mul3A_80 : f32
    %broadcast_in_dim3A_82 = vector.broadcast %add3A_81 : f32 to vector<1x1xf32>
    %swap3A_83 = arith.constant 0 : index
    %swap3A_84 = arith.constant 0 : index
    %swap3A_85 = vector.load %arg5[%swap3A_83, %swap3A_84] : memref<1x1xf32, #tpu.memory_space<vmem>>, vector<1x1xf32>
    tpu.vector_store %arg5[%swap3A_83, %swap3A_84], %broadcast_in_dim3A_82 {strides = array<i32>} : memref<1x1xf32, #tpu.memory_space<vmem>>, vector<1x1xf32>,
    return
  }
}

module attributes {stable_mosaic.version = 14 : i64} {
  func.func @_ffn_body(%arg0: i32, %arg1: memref<40x768xf32, #tpu.memory_space<vmem>>, %arg2: memref<1x768x768xf32, #tpu.memory_space<vmem>>, %arg3: memref<1x1x768xf32, #tpu.memory_space<vmem>>, %arg4: memref<1x768x768xf32, #tpu.memory_space<vmem>>, %arg5: memref<1x1x768xf32, #tpu.memory_space<vmem>>, %arg6: memref<40x768xf32, #tpu.memory_space<vmem>>) attributes {dimension_semantics = [#tpu.dimension_semantics<arbitrary>], iteration_bounds = array<i64: 66>, scalar_prefetch = 0 : i64, scratch_operands = 0 : i64, tpu.core_type = #tpu.core_type<tc>, window_params = [{transform_indices = @transform_0, window_bounds = array<i64: 40, 768>}, {transform_indices = @transform_1, window_bounds = array<i64: 1, 768, 768>}, {transform_indices = @transform_2, window_bounds = array<i64: 1, 1, 768>}, {transform_indices = @transform_3, window_bounds = array<i64: 1, 768, 768>}, {transform_indices = @transform_4, window_bounds = array<i64: 1, 1, 768>}, {transform_indices = @transform_5, window_bounds = array<i64: 40, 768>}]} {
    %lt3A = arith.constant 64 : i32
    %lt3A_0 = arith.cmpi slt, %arg0, %lt3A : i32
    %convert_element_type3A = arith.extui %lt3A_0 : i1 to i32
    %cond3A = arith.constant 0 : i32
    %cond3A_1 = arith.cmpi ne, %convert_element_type3A, %cond3A : i32
    scf.if %cond3A_1 {
      %get3A = arith.constant 0 : index
      %get3A_6 = arith.constant 0 : index
      %get3A_7 = vector.load %arg1[%get3A, %get3A_6] : memref<40x768xf32, #tpu.memory_space<vmem>>, vector<40x768xf32>
      %get3A_8 = arith.constant 0 : index
      %get3A_9 = arith.constant 0 : index
      %get3A_10 = arith.constant 0 : index
      %get3A_11 = vector.load %arg2[%get3A_8, %get3A_9, %get3A_10] : memref<1x768x768xf32, #tpu.memory_space<vmem>>, vector<1x768x768xf32>
      %get3A_12 = vector.shape_cast %get3A_11 : vector<1x768x768xf32> to vector<768x768xf32>
      %dot_general3A = arith.constant dense<0.000000e+00> : vector<40x768xf32>
      %dot_general3A_13 = tpu.matmul %get3A_7, %get3A_12, %dot_general3A {dimension_numbers = #tpu.dot_dimension_numbers<[1], [0], [0], [1], [0, 0, 1, 1], [], []>, transpose_lhs_hint = false} : vector<40x768xf32>, vector<768x768xf32>, vector<40x768xf32> -> vector<40x768xf32>
      %get3A_14 = arith.constant 0 : index
      %get3A_15 = arith.constant 0 : index
      %get3A_16 = arith.constant 0 : index
      %get3A_17 = vector.load %arg3[%get3A_14, %get3A_15, %get3A_16] : memref<1x1x768xf32, #tpu.memory_space<vmem>>, vector<1x1x768xf32>
      %get3A_18 = vector.shape_cast %get3A_17 : vector<1x1x768xf32> to vector<1x768xf32>
      %add3A = vector.broadcast %get3A_18 : vector<1x768xf32> to vector<40x768xf32>
      %add3A_19 = arith.addf %dot_general3A_13, %add3A : vector<40x768xf32>
      %max3A = arith.constant 0.000000e+00 : f32
      %max3A_20 = vector.broadcast %max3A : f32 to vector<40x768xf32>
      %max3A_21 = arith.maximumf %add3A_19, %max3A_20 : vector<40x768xf32>
      %get3A_22 = arith.constant 0 : index
      %get3A_23 = arith.constant 0 : index
      %get3A_24 = arith.constant 0 : index
      %get3A_25 = vector.load %arg4[%get3A_22, %get3A_23, %get3A_24] : memref<1x768x768xf32, #tpu.memory_space<vmem>>, vector<1x768x768xf32>
      %get3A_26 = vector.shape_cast %get3A_25 : vector<1x768x768xf32> to vector<768x768xf32>
      %dot_general3A_27 = arith.constant dense<0.000000e+00> : vector<40x768xf32>
      %dot_general3A_28 = tpu.matmul %max3A_21, %get3A_26, %dot_general3A_27 {dimension_numbers = #tpu.dot_dimension_numbers<[1], [0], [0], [1], [0, 0, 1, 1], [], []>, transpose_lhs_hint = false} : vector<40x768xf32>, vector<768x768xf32>, vector<40x768xf32> -> vector<40x768xf32>
      %get3A_29 = arith.constant 0 : index
      %get3A_30 = arith.constant 0 : index
      %get3A_31 = arith.constant 0 : index
      %get3A_32 = vector.load %arg5[%get3A_29, %get3A_30, %get3A_31] : memref<1x1x768xf32, #tpu.memory_space<vmem>>, vector<1x1x768xf32>
      %get3A_33 = vector.shape_cast %get3A_32 : vector<1x1x768xf32> to vector<1x768xf32>
      %add3A_34 = vector.broadcast %get3A_33 : vector<1x768xf32> to vector<40x768xf32>
      %add3A_35 = arith.addf %dot_general3A_28, %add3A_34 : vector<40x768xf32>
      %swap3A = arith.constant 0 : index
      %swap3A_36 = arith.constant 0 : index
      %swap3A_37 = vector.load %arg6[%swap3A, %swap3A_36] : memref<40x768xf32, #tpu.memory_space<vmem>>, vector<40x768xf32>
      tpu.vector_store %arg6[%swap3A, %swap3A_36], %add3A_35 {strides = array<i32>} : memref<40x768xf32, #tpu.memory_space<vmem>>, vector<40x768xf32>,
    } else {
    }
    %ge3A = arith.constant 64 : i32
    %ge3A_2 = arith.cmpi sge, %arg0, %ge3A : i32
    %convert_element_type3A_3 = arith.extui %ge3A_2 : i1 to i32
    %cond3A_4 = arith.constant 0 : i32
    %cond3A_5 = arith.cmpi ne, %convert_element_type3A_3, %cond3A_4 : i32
    scf.if %cond3A_5 {
      %broadcast_in_dim3A = arith.constant 0.000000e+00 : f32
      %broadcast_in_dim3A_6 = vector.broadcast %broadcast_in_dim3A : f32 to vector<40x768xf32>
      %swap3A = arith.constant 0 : index
      %swap3A_7 = arith.constant 0 : index
      %swap3A_8 = vector.load %arg6[%swap3A, %swap3A_7] : memref<40x768xf32, #tpu.memory_space<vmem>>, vector<40x768xf32>
      tpu.vector_store %arg6[%swap3A, %swap3A_7], %broadcast_in_dim3A_6 {strides = array<i32>} : memref<40x768xf32, #tpu.memory_space<vmem>>, vector<40x768xf32>,
    } else {
    }
    return
  }
  func.func @transform_0(%arg0: i32) -> (i32, i32) {
    %min3A = arith.constant 63 : i32
    %min3A_0 = arith.minsi %arg0, %min3A : i32
    %c0_i32 = arith.constant 0 : i32
    %c0_i32_1 = arith.constant 0 : i32
    return %min3A_0, %c0_i32 : i32, i32
  }
  func.func @transform_1(%arg0: i32) -> (i32, i32, i32) {
    %min3A = arith.constant 63 : i32
    %min3A_0 = arith.minsi %arg0, %min3A : i32
    %c0_i32 = arith.constant 0 : i32
    %c0_i32_1 = arith.constant 0 : i32
    %c0_i32_2 = arith.constant 0 : i32
    return %min3A_0, %c0_i32, %c0_i32_1 : i32, i32, i32
  }
  func.func @transform_2(%arg0: i32) -> (i32, i32, i32) {
    %min3A = arith.constant 63 : i32
    %min3A_0 = arith.minsi %arg0, %min3A : i32
    %c0_i32 = arith.constant 0 : i32
    %c0_i32_1 = arith.constant 0 : i32
    %c0_i32_2 = arith.constant 0 : i32
    return %min3A_0, %c0_i32, %c0_i32_1 : i32, i32, i32
  }
  func.func @transform_3(%arg0: i32) -> (i32, i32, i32) {
    %min3A = arith.constant 63 : i32
    %min3A_0 = arith.minsi %arg0, %min3A : i32
    %c0_i32 = arith.constant 0 : i32
    %c0_i32_1 = arith.constant 0 : i32
    %c0_i32_2 = arith.constant 0 : i32
    return %min3A_0, %c0_i32, %c0_i32_1 : i32, i32, i32
  }
  func.func @transform_4(%arg0: i32) -> (i32, i32, i32) {
    %min3A = arith.constant 63 : i32
    %min3A_0 = arith.minsi %arg0, %min3A : i32
    %c0_i32 = arith.constant 0 : i32
    %c0_i32_1 = arith.constant 0 : i32
    %c0_i32_2 = arith.constant 0 : i32
    return %min3A_0, %c0_i32, %c0_i32_1 : i32, i32, i32
  }
  func.func @transform_5(%arg0: i32) -> (i32, i32) {
    %c0_i32 = arith.constant 0 : i32
    %c0_i32_0 = arith.constant 0 : i32
    return %arg0, %c0_i32 : i32, i32
  }
}

</mosaic_0001>

<sc_bundles>
// kernel: kernel.6.cloned.1.call-start
scs
__scs_entry_jumppad:
0x0: {  	(pc) =	sbr.rel $0x88, $3  }
0x1: {  	(tag) =	ssettag $0x0;
	lr =	simm.s32 $0x1  }
0x2: {  	[smem:$0x3F99] =	sst lr;
	_ =	strace $0xD0000000  }
0x3: {  	_ = 	snop  }
0x4: {  	_ = 	snop  }
0x5: {  	_ = 	snop  }
0x6: {  	_ = 	snop  }
0x7: {  	_ = 	snop  }
__scs_overlays_trampoline_lowered:
0x8: {  	[smem:$0x3FA8] =	sst s0  }
0x9: {  	[smem:$0x3FA9] =	sst s1  }
0xa: {  	[smem:$0x3FAA] =	sst s2  }
0xb: {  	[smem:$0x3FAB] =	sst s3  }
0xc: {  	[smem:$0x3FAC] =	sst s4  }
0xd: {  	[smem:$0x3FAD] =	sst s5  }
0xe: {  	[smem:$0x3FAE] =	sst s6  }
0xf: {  	[smem:$0x3FAF] =	sst s7  }
0x10: {  	[smem:$0x3FB0] =	sst s8  }
0x11: {  	[smem:$0x3FB1] =	sst s9;
	s0 =	simm.s32 @!p0 $0x0  }
0x12: {  	s1 =	sld [smem:$0x3F97];
	s0 =	simm.s32 @p0 $0x1  }
0x13: {  	[smem:$0x3FB2] =	sst s0;
	s0 =	simm.s32 @!p1 $0x0  }
0x14: {  	s2 =	sld [smem:$0x3F96];
	s0 =	simm.s32 @p1 $0x1  }
0x15: {  	[smem:$0x3FB3] =	sst s0;
	s0 =	simm.s32 @!p2 $0x0  }
0x16: {  	s3 =	sld [smem:$0x3FDB];
	s0 =	simm.s32 @p2 $0x1  }
0x17: {  	s4 =	simm.s32 $0x1BF5;
	[smem:$0x3FB5] =	sst s0  }
0x18: {  	s0 =	sld [smem:$0x3F98];
	_ =	swait.ge [sflag:s4], $0x0  }
0x19: {  	s7 =	sld [smem:$0x3F99]  }
0x1a: {  	s8 =	sadd.s32 $0xFFFFE003, lr  }
0x1b: {  	s9 =	sadd.s32 $0xFFFFFEF7, lr;
	s5 =	simm.s32 $0xFFFFFFFF;
	p2 =	slt.u32 s8, $0xFFFFF086  }
0x1c: {  	p1 =	slt.u32 s9, $0xF7A;
	s5 =	simm.s32 @!p2 $0x0  }
0x1d: {  	s5 =	simm.s32 @p1 $0x1;
	p0 =	seq.s32 s7, s2  }
0x1e: {  	s7 =	smul.u32 @!p0 $0xF7A, s2;
	p2 =	seq.s32 @!p0 s5, $0x0  }
0x1f: {  	s9 =	smul.u32 $0xF7A, s1;
	s8 =	simm.s32 @!p0 $0x1BF5;
	p2 =	por !p2, p0  }
0x20: {  	[sflag:s8] =	ssyncset.s32 @!p0 $0xFFFFF086;
	s6 =	sadd.s32 @!p0 s3, s7;
	s7 =	simm.s32 @!p0 $0x108  }
0x21: {  	s3 =	sadd.s32 s3, s9;
	s6 =	sadd.s32 @!p0 $0x88, s6;
	s7 =	simm.s32 @p2 $0x1082  }
0x22: {  	[simem:s7], [sflag:s8] =	dma.local @!p0 [hbm:s6], $0xF7A  }
0x23: {  	s9 =	sor.u32 $0xD0000000, s2;
	s6 =	simm.s32 $0x108;
	_ =	swait.ge @!p0 [sflag:s8], $0x0  }
0x24: {  	s3 =	sadd.s32 $0x88, s3;
	s6 =	simm.s32 @!p1 $0x1082;
	[sflag:s4] =	ssyncset.s32 $0xFFFFF086  }
0x25: {  	[simem:s6], [sflag:s4] =	dma.local [hbm:s3], $0xF7A  }
0x26: {  	[smem:$0x3F99] =	sst s1;
	(tag) =	ssettag s2;
	_ =	strace s9  }
0x27: {  	s1 =	sld [smem:$0x3FA9]  }
0x28: {  	s2 =	sld [smem:$0x3FAA]  }
0x29: {  	s4 =	sld [smem:$0x3FAC]  }
0x2a: {  	p0 =	seq.s32 s5, $0x0;
	s5 =	sld [smem:$0x3FAD]  }
0x2b: {  	s6 =	sld [smem:$0x3FAE]  }
0x2c: {  	s7 =	sld [smem:$0x3FAF]  }
0x2d: {  	s3 =	simm.s32 $0x108;
	s8 =	sld [smem:$0x3FB0]  }
0x2e: {  	s3 =	simm.s32 @!p0 $0x1082;
	s9 =	sld [smem:$0x3FB1]  }
0x2f: {  	lr =	sadd.s32 s0, s3;
	s0 =	sld [smem:$0x3FA8]  }
0x30: {  	s3 =	sld [smem:$0x3FAB]  }
0x31: {  	[smem:$0x3FB4] =	sst s10  }
0x32: {  	s10 =	sld [smem:$0x3FB2];
	_ =	sdelay $0x3  }
0x33: {  	p0 =	seq.s32 s10, $0x1;
	s10 =	sld [smem:$0x3FB4];
	_ =	sdelay $0x3  }
0x34: {  	[smem:$0x3FB4] =	sst s10  }
0x35: {  	s10 =	sld [smem:$0x3FB3];
	_ =	sdelay $0x3  }
0x36: {  	p1 =	seq.s32 s10, $0x1;
	s10 =	sld [smem:$0x3FB4];
	_ =	sdelay $0x3  }
0x37: {  	[smem:$0x3FB4] =	sst s10  }
0x38: {  	s10 =	sld [smem:$0x3FB5]  }
0x39: {  	_ = 	snop;
	(pc) =	sbr.ind lr, $3  }
0x3a: {  	_ = 	snop  }
0x3b: {  	_ = 	snop  }
0x3c: {  	p2 =	seq.s32 s10, $0x1;
	s10 =	sld [smem:$0x3FB4]  }
0x3d: {  	_ =	shalt  }
0x3e: {  	_ =	shalt  }
0x3f: {  	_ =	shalt  }
0x40: {  	_ =	shalt  }
0x41: {  	_ =	shalt  }
0x42: {  	_ =	shalt  }
0x43: {  	_ =	shalt  }
0x44: {  	_ =	shalt  }
0x45: {  	_ =	shalt  }
0x46: {  	_ =	shalt  }
0x47: {  	_ =	shalt  }
0x48: {  	_ =	shalt  }
0x49: {  	_ =	shalt  }
0x4a: {  	_ =	shalt  }
0x4b: {  	_ =	shalt  }
0x4c: {  	_ =	shalt  }
0x4d: {  	_ =	shalt  }
0x4e: {  	_ =	shalt  }
0x4f: {  	_ =	shalt  }
0x50: {  	_ =	shalt  }
0x51: {  	_ =	shalt  }
0x52: {  	_ =	shalt  }
0x53: {  	_ =	shalt  }
0x54: {  	_ =	shalt  }
0x55: {  	_ =	shalt  }
0x56: {  	_ =	shalt  }
0x57: {  	_ =	shalt  }
0x58: {  	_ =	shalt  }
0x59: {  	_ =	shalt  }
0x5a: {  	_ =	shalt  }
0x5b: {  	_ =	shalt  }
0x5c: {  	_ =	shalt  }
0x5d: {  	_ =	shalt  }
0x5e: {  	_ =	shalt  }
0x5f: {  	_ =	shalt  }
0x60: {  	_ =	shalt  }
0x61: {  	_ =	shalt  }
0x62: {  	_ =	shalt  }
0x63: {  	_ =	shalt  }
0x64: {  	_ =	shalt  }
0x65: {  	_ =	shalt  }
0x66: {  	_ =	shalt  }
0x67: {  	_ =	shalt  }
0x68: {  	_ =	shalt  }
0x69: {  	_ =	shalt  }
0x6a: {  	_ =	shalt  }
0x6b: {  	_ =	shalt  }
0x6c: {  	_ =	shalt  }
0x6d: {  	_ =	shalt  }
0x6e: {  	_ =	shalt  }
0x6f: {  	_ =	shalt  }
0x70: {  	_ =	shalt  }
0x71: {  	_ =	shalt  }
0x72: {  	_ =	shalt  }
0x73: {  	_ =	shalt  }
0x74: {  	_ =	shalt  }
0x75: {  	_ =	shalt  }
0x76: {  	_ =	shalt  }
0x77: {  	_ =	shalt  }
0x78: {  	_ =	shalt  }
0x79: {  	_ =	shalt  }
0x7a: {  	_ =	shalt  }
0x7b: {  	_ =	shalt  }
0x7c: {  	_ =	shalt  }
0x7d: {  	_ =	shalt  }
0x7e: {  	_ =	shalt  }
0x7f: {  	_ =	shalt  }
0x80: {  	_ =	shalt  }
0x81: {  	_ =	shalt  }
0x82: {  	_ =	shalt  }
0x83: {  	_ =	shalt  }
0x84: {  	_ =	shalt  }
0x85: {  	_ =	shalt  }
0x86: {  	_ =	shalt  }
0x87: {  	_ =	shalt  }
.Lfunc_end0:
.L_simem_size_0:
called_computation_lowered:
.L_overlay_start_0:
0x88: {  	s2 =	sld [smem:$0x3FD9]  }
0x89: {  	s3 =	sld [smem:$0x3FFE];
	_ =	sdelay $0x1  }
0x8a: {  	s1 =	srdreg.scid  }
0x8b: {  	s0 =	sand.u32 $0x1, s1  }
0x8c: {  	s17 =	sshll.u32 s0, $0xA;
	s2 =	sadd.s32 s3, s2  }
0x8d: {  	s2 =	sadd.s32 s2, s17  }
0x8e: {  	[smem:$0x3FC0] =	sst s2  }
0x8f: {  	_ = 	snop  }
0x90: {  	s2 =	sld [smem:$0x3FC9];
	(tm) =	ssettm $0x1  }
0x91: {  	s18 =	sld [smem:$0x3FFB];
	_ =	sdelay $0x3  }
0x92: {  	_ =	strace s18  }
0x93: {  	s3 =	sld [smem:$0x3FFC];
	_ =	sdelay $0x3  }
0x94: {  	_ =	strace s3  }
0x95: {  	s3 =	sld [smem:$0x3FFD];
	_ =	sdelay $0x3  }
0x96: {  	_ =	strace s3  }
0x97: {  	_ =	strace $0x8FFFFFFF  }
0x98: {  	s19 =	sld [smem:$0x3FDB];
	_ =	sdelay $0x1  }
0x99: {  	s4 =	simm.s32 $_scs_section_size  }
0x9a: {  	s5 =	simm.s32 $_size__tile_overlayer_lowered;
	s6 =	simm.s32 $_tile_overlayer_lowered  }
0x9b: {  	s22 =	simm.s32 $0x1BFF;
	s21 =	sshll.u32 s6, $0x1;
	s3 =	sadd.s32 s4, s19  }
0x9c: {  	s7 =	simm.s32 $0x0;
	s20 =	sshll.u32 s5, $0x1;
	s5 =	sadd.s32 s21, s3  }
0x9d: {  	[timem:s7], [sflag:s22] =	dma.local [hbm:s5], s20  }
0x9e: {  	_ =	swait.ge [sflag:s22], s20  }
0x9f: {  	s4 =	ssub.s32 $0x0, s20;
	[sflag:s22] =	ssyncset.done $0x0  }
0xa0: {  	[sflag:s22] =	ssyncadd.s32 s4;
	_ =	sdelay $0x1  }
0xa1: {  	s23 =	simm.s32 $0x1B8B  }
0xa2: {  	_ =	swait.ge [sflag:s23], $0x1  }
0xa3: {  	[sflag:s23] =	ssyncset.done $0x0  }
0xa4: {  	s25 =	simm.s32 $0x1B8E;
	s24 =	sld [smem:$0x3FFE];
	[sflag:s23] =	ssyncadd.s32 $0xFFFFFFFF  }
0xa5: {  	s26 =	simm.s32 $execute0_lowered;
	[smem:$0x3FD2] =	sst s25  }
0xa6: {  	s5 =	sshll.u32 s26, $0x1;
	_ =	strace $0x80000046;
	[dreg:$0x1] =	wrdreg $0xFFFFFFFF  }
0xa7: {  	s28 =	simm.s32 $_size_execute0_lowered;
	s3 =	sadd.s32 s3, s5;
	[dreg:$0x0] =	wrdreg $0x0  }
0xa8: {  	s5 =	sshll.u32 s28, $0x1;
	[dreg:$0x2] =	wrdreg s3  }
0xa9: {  	[dreg:$0x3] =	wrdreg s5  }
0xaa: {  	[dreg:$0x4] =	wrdreg $0xC0  }
0xab: {  	_ =	task [dreg:s7], $0x5FFFF  }
0xac: {  	[dreg:$0x1] =	wrdreg $0xFFFFFFFF  }
0xad: {  	[dreg:$0x0] =	wrdreg $0x60  }
0xae: {  	[dreg:$0x2] =	wrdreg s24  }
0xaf: {  	[dreg:$0x3] =	wrdreg s2  }
0xb0: {  	[dreg:$0x4] =	wrdreg $0x9  }
0xb1: {  	_ =	task.clear_ibuf [dreg:s7], $0x5FFFF;
	_ =	strace $0x90000046  }
0xb2: {  	s29 =	simm.s32 $0x9;
	_ =	strace $0x80000048  }
0xb3: {  	_ =	swait.ge [sflag:s29], $0x1  }
0xb4: {  	[sflag:s29] =	ssyncadd.s32 $0xFFFFFFFF  }
0xb5: {  	_ =	strace $0x90000048  }
0xb6: {  	_ =	sfence  }
0xb7: {  	s30 =	sld [smem:$0x0];
	_ =	sdelay $0x2  }
0xb8: {  	s31 =	sshll.u32 s1, $0xD;
	s1 =	sshrl.u32 s1, $0x2  }
0xb9: {  	s3 =	sand.u32 $0x4000, s31;
	s1 =	sadd.s32 s1, s30  }
0xba: {  	s0 =	sor.u32 s3, s0;
	s1 =	sshll.u32 s1, $0x11  }
0xbb: {  	s0 =	sor.u32 s1, s0  }
0xbc: {  	s0 =	sadd.s32 $0x8F2B, s0  }
0xbd: {  	[sflag:s0] =	ssyncadd.remote.s32 $0x1  }
0xbe: {  	_ =	sfence.sel $0xFFFF  }
0xbf: {  	[dreg:$0x0] =	wrdreg $0xFFFFFFFF;
	(pc) =	sbr.abs _section_cstart, $3  }
0xc0: {  	[dreg:$0x1] =	wrdreg $0xFFFFFFFF  }
0xc1: {  	_ =	task.clear_ibuf [dreg:s7], $0x2FFFF;
	_ =	strace $0x9FFFFFFF  }
0xc2: {  	(tm) =	ssettm $0x7FFFFFFF  }
0xc3: {  	_ =	shalt  }
tec
execute0_lowered:
.L_overlay_start_1:
0x0: {  	(tag) =	ssettag $0x1  }
0x1: {  	s1 =	srdreg.scid;
	s5 =	rddreg [dreg:$0x0]  }
0x2: {  	s0 =	stileid.u32;
	s3 =	rddreg [dreg:$0x1];
	s2 =	simm.s32 $0x0  }
0x3: {  	s8 =	simm.s32 $0x80;
	s26 =	simm.s32 $0x880;
	s9 =	simm.s32 $0x1080  }
0x4: {  	s10 =	simm.s32 $0x1880;
	s11 =	simm.s32 $0x2080;
	s12 =	simm.s32 $0x2880  }
0x5: {  	s13 =	simm.s32 $0x3080;
	s14 =	simm.s32 $0x3880;
	s15 =	simm.s32 $0x4080  }
0x6: {  	s16 =	simm.s32 $0x4880;
	s17 =	simm.s32 $0x5080;
	s18 =	simm.s32 $0x5880  }
0x7: {  	s19 =	simm.s32 $0x6080;
	s20 =	simm.s32 $0x6880;
	s21 =	simm.s32 $0x7080  }
0x8: {  	s22 =	simm.s32 $0x7880;
	s23 =	simm.s32 $0x8080;
	s24 =	simm.s32 $0x8880  }
0x9: {  	s28 =	simm.s32 $0xA080;
	s29 =	simm.s32 $0xA880;
	s30 =	simm.s32 $0xB080  }
0xa: {  	s31 =	simm.s32 $0xB880;
	s1 =	sand.u32 $0x1, s1;
	[smem:$0x7FF] =	sst s2  }
0xb: {  	s4 =	sshll.u32 s0, $0x4;
	s6 =	sshll.u32 s1, $0x3;
	_ =	strace $0x80000047  }
0xc: {  	s1 =	ssub.s32 $0x2, s1;
	[dreg:$0x5] =	wrdreg s26;
	s4 =	sor.u32 s6, s4  }
0xd: {  	s26 =	simm.s32 $0x9880;
	s7 =	sshrl.u32 s1, $0x1;
	s6 =	smul.u32 $0x300, s4  }
0xe: {  	s4 =	sadd.s32 s5, s4;
	s1 =	ssub.s32 s1, s7;
	s7 =	simm.s32 $0x2  }
0xf: {  	v2 =	vlaneseq.u32;
	[dreg:$0x3] =	wrdreg s4;
	s4 =	sadd.s32 $0x300, s5;
	s25 =	sadd.s32 s3, s6  }
0x10: {  	vm0 =	vmmov $0xffff;
	v1 =	vshrl.u32 v2, $0x3;
	s3 =	sadd.s32 $0x200, s5;
	s5 =	sadd.s32 $0x400, s5;
	s6 =	smax.u32 s1, $0x1  }
0x11: {  	v0 =	vand.u32 $0x7, v2;
	v2 =	vor.u32 $0x8, v2;
	v1 =	vmul.u32 $0x8, v1;
	s1 =	simm.s32 $0x1;
	[dreg:$0x4] =	wrdreg s25;
	s25 =	simm.s32 $0x9080  }
.LBB2_1:
0x12: {  	s0 =	rddreg [dreg:$0x3]  }
0x13: {  	[tilespmem:s2], [sflag:$0x2] =	stream.linear.gather [hbm4b:s0+s2], $0x40, $0x38;
	[tilespmem:$0xC080] =	vst v63  }
0x14: {  	_ =	swait.ge [sflag:s7], $0x40  }
0x15: {  	[sflag:s7] =	ssyncset.done $0x0  }
0x16: {  	s0 =	rddreg [dreg:$0x4];
	[sflag:s7] =	ssyncadd.s32 $0xFFFFFFC0  }
0x17: {  	[tilespmem:s8], [sflag:$0x2] =	stream.linear.gather [hbm4b:s0+s2], $0xC000, $0x38;
	[tilespmem:$0xC080] =	vst v63  }
0x18: {  	_ =	swait.ge [sflag:s7], $0xC000  }
0x19: {  	[sflag:s7] =	ssyncset.done $0x0  }
0x1a: {  	[sflag:s7] =	ssyncadd.s32 $0xFFFF4000  }
0x1b: {  	v3 =	vld [tilespmem:$0x0];
	_ =	sdelay $0x4  }
0x1c: {  	v4 =	vshrl.u32 v3, $0x3  }
0x1d: {  	v4 =	vmul.u32 $0x30, v4  }
0x1e: {  	v3 =	vand.u32 $0x7, v3  }
0x1f: {  	v3 =	vor.u32 v3, v4  }
0x20: {  	v4 =	vperm.xlane v3, v0;
	_ =	sdelay $0x1  }
0x21: {  	v4 =	vadd.s32 v1, v4;
	_ =	sdelay $0x3  }
0x22: {  	v3 =	vperm.xlane v3, v2  }
0x23: {  	[hbm4b:s3+s2] =	stream.indirect_vreg.scatter [tilespmem:s8], [sflag:$0x1], $0x80, v4, vm0, $0xb8;
	[tilespmem:$0xC080] =	vst v63  }
0x24: {  	s0 =	rddreg [dreg:$0x5];
	v3 =	vadd.s32 v1, v3  }
0x25: {  	[hbm4b:s4+s2] =	stream.indirect_vreg.scatter [tilespmem:s0], [sflag:$0x1], $0x80, v4, vm0, $0xb8;
	[tilespmem:$0xC080] =	vst v63  }
0x26: {  	_ = 	snop  }
0x27: {  	[hbm4b:s5+s2] =	stream.indirect_vreg.scatter [tilespmem:s9], [sflag:$0x1], $0x80, v4, vm0, $0xb8;
	[tilespmem:$0xC080] =	vst v63  }
0x28: {  	_ = 	snop  }
0x29: {  	[hbm4b:s3+s2] =	stream.indirect_vreg.scatter [tilespmem:s10], [sflag:$0x1], $0x80, v3, vm0, $0xb8;
	[tilespmem:$0xC080] =	vst v63  }
0x2a: {  	_ = 	snop  }
0x2b: {  	[hbm4b:s4+s2] =	stream.indirect_vreg.scatter [tilespmem:s11], [sflag:$0x1], $0x80, v3, vm0, $0xb8;
	[tilespmem:$0xC080] =	vst v63  }
0x2c: {  	_ = 	snop  }
0x2d: {  	[hbm4b:s5+s2] =	stream.indirect_vreg.scatter [tilespmem:s12], [sflag:$0x1], $0x80, v3, vm0, $0xb8;
	[tilespmem:$0xC080] =	vst v63  }
0x2e: {  	v3 =	vld [tilespmem:$0x10];
	_ =	sdelay $0x4  }
0x2f: {  	v61 =	vshrl.u32 v3, $0x3  }
0x30: {  	v4 =	vmul.u32 $0x30, v61  }
0x31: {  	v3 =	vand.u32 $0x7, v3  }
0x32: {  	v3 =	vor.u32 v3, v4  }
0x33: {  	v4 =	vperm.xlane v3, v0;
	_ =	sdelay $0x1  }
0x34: {  	v4 =	vadd.s32 v1, v4;
	_ =	sdelay $0x3  }
0x35: {  	v3 =	vperm.xlane v3, v2  }
0x36: {  	[hbm4b:s3+s2] =	stream.indirect_vreg.scatter [tilespmem:s13], [sflag:$0x1], $0x80, v4, vm0, $0xb8;
	[tilespmem:$0xC080] =	vst v63  }
0x37: {  	v3 =	vadd.s32 v1, v3  }
0x38: {  	[hbm4b:s4+s2] =	stream.indirect_vreg.scatter [tilespmem:s14], [sflag:$0x1], $0x80, v4, vm0, $0xb8;
	[tilespmem:$0xC080] =	vst v63  }
0x39: {  	_ = 	snop  }
0x3a: {  	[hbm4b:s5+s2] =	stream.indirect_vreg.scatter [tilespmem:s15], [sflag:$0x1], $0x80, v4, vm0, $0xb8;
	[tilespmem:$0xC080] =	vst v63  }
0x3b: {  	_ = 	snop  }
0x3c: {  	[hbm4b:s3+s2] =	stream.indirect_vreg.scatter [tilespmem:s16], [sflag:$0x1], $0x80, v3, vm0, $0xb8;
	[tilespmem:$0xC080] =	vst v63  }
0x3d: {  	_ = 	snop  }
0x3e: {  	[hbm4b:s4+s2] =	stream.indirect_vreg.scatter [tilespmem:s17], [sflag:$0x1], $0x80, v3, vm0, $0xb8;
	[tilespmem:$0xC080] =	vst v63  }
0x3f: {  	_ = 	snop  }
0x40: {  	[hbm4b:s5+s2] =	stream.indirect_vreg.scatter [tilespmem:s18], [sflag:$0x1], $0x80, v3, vm0, $0xb8;
	[tilespmem:$0xC080] =	vst v63  }
0x41: {  	v3 =	vld [tilespmem:$0x20];
	_ =	sdelay $0x4  }
0x42: {  	v62 =	vshrl.u32 v3, $0x3  }
0x43: {  	v4 =	vmul.u32 $0x30, v62  }
0x44: {  	v3 =	vand.u32 $0x7, v3  }
0x45: {  	v3 =	vor.u32 v3, v4  }
0x46: {  	v4 =	vperm.xlane v3, v0;
	_ =	sdelay $0x1  }
0x47: {  	v4 =	vadd.s32 v1, v4;
	_ =	sdelay $0x3  }
0x48: {  	v3 =	vperm.xlane v3, v2  }
0x49: {  	[hbm4b:s3+s2] =	stream.indirect_vreg.scatter [tilespmem:s19], [sflag:$0x1], $0x80, v4, vm0, $0xb8;
	[tilespmem:$0xC080] =	vst v63  }
0x4a: {  	v3 =	vadd.s32 v1, v3  }
0x4b: {  	[hbm4b:s4+s2] =	stream.indirect_vreg.scatter [tilespmem:s20], [sflag:$0x1], $0x80, v4, vm0, $0xb8;
	[tilespmem:$0xC080] =	vst v63  }
0x4c: {  	_ = 	snop  }
0x4d: {  	[hbm4b:s5+s2] =	stream.indirect_vreg.scatter [tilespmem:s21], [sflag:$0x1], $0x80, v4, vm0, $0xb8;
	[tilespmem:$0xC080] =	vst v63  }
0x4e: {  	_ = 	snop  }
0x4f: {  	[hbm4b:s3+s2] =	stream.indirect_vreg.scatter [tilespmem:s22], [sflag:$0x1], $0x80, v3, vm0, $0xb8;
	[tilespmem:$0xC080] =	vst v63  }
0x50: {  	_ = 	snop  }
0x51: {  	[hbm4b:s4+s2] =	stream.indirect_vreg.scatter [tilespmem:s23], [sflag:$0x1], $0x80, v3, vm0, $0xb8;
	[tilespmem:$0xC080] =	vst v63  }
0x52: {  	_ = 	snop  }
0x53: {  	[hbm4b:s5+s2] =	stream.indirect_vreg.scatter [tilespmem:s24], [sflag:$0x1], $0x80, v3, vm0, $0xb8;
	[tilespmem:$0xC080] =	vst v63  }
0x54: {  	v3 =	vld [tilespmem:$0x30];
	_ =	sdelay $0x4  }
0x55: {  	v63 =	vshrl.u32 v3, $0x3  }
0x56: {  	v4 =	vmul.u32 $0x30, v63  }
0x57: {  	v3 =	vand.u32 $0x7, v3  }
0x58: {  	v3 =	vor.u32 v3, v4  }
0x59: {  	v4 =	vperm.xlane v3, v0;
	_ =	sdelay $0x1  }
0x5a: {  	v4 =	vadd.s32 v1, v4;
	_ =	sdelay $0x3  }
0x5b: {  	v3 =	vperm.xlane v3, v2  }
0x5c: {  	[hbm4b:s3+s2] =	stream.indirect_vreg.scatter [tilespmem:s25], [sflag:$0x1], $0x80, v4, vm0, $0xb8;
	[tilespmem:$0xC080] =	vst v63  }
0x5d: {  	v3 =	vadd.s32 v1, v3  }
0x5e: {  	[hbm4b:s4+s2] =	stream.indirect_vreg.scatter [tilespmem:s26], [sflag:$0x1], $0x80, v4, vm0, $0xb8;
	[tilespmem:$0xC080] =	vst v63  }
0x5f: {  	_ = 	snop  }
0x60: {  	[hbm4b:s5+s2] =	stream.indirect_vreg.scatter [tilespmem:s28], [sflag:$0x1], $0x80, v4, vm0, $0xb8;
	[tilespmem:$0xC080] =	vst v63  }
0x61: {  	_ = 	snop  }
0x62: {  	[hbm4b:s3+s2] =	stream.indirect_vreg.scatter [tilespmem:s29], [sflag:$0x1], $0x80, v3, vm0, $0xb8;
	[tilespmem:$0xC080] =	vst v63  }
0x63: {  	p0 =	sne.s32 s6, $0x1  }
0x64: {  	[hbm4b:s4+s2] =	stream.indirect_vreg.scatter [tilespmem:s30], [sflag:$0x1], $0x80, v3, vm0, $0xb8;
	[tilespmem:$0xC080] =	vst v63  }
.Ltmp0:
0x65: {  	_ = 	snop;
	(pc) =	sbr.rel @p0 .LBB2_1-.Ltmp0, $4  }
0x66: {  	[hbm4b:s5+s2] =	stream.indirect_vreg.scatter [tilespmem:s31], [sflag:$0x1], $0x80, v3, vm0, $0xb8;
	[tilespmem:$0xC080] =	vst v63  }
0x67: {  	_ =	swait.ge [sflag:s1], $0xC000  }
0x68: {  	[sflag:s1] =	ssyncset.done $0x0  }
0x69: {  	s6 =	sadd.s32 $0xFFFFFFFF, s6;
	[sflag:s1] =	ssyncadd.s32 $0xFFFF4000  }
0x6a: {  	_ =	sfence.sel $0x180000  }
0x6b: {  	[bflag:$0x0] =	sbarrier.arrive $0xFFFF  }
0x6c: {  	_ =	strace $0x90000047  }
0x6d: {  	s0 =	stileid.u32;
	[bflag:$0x2] =	sbarrier.arrive $0xFFFF  }
0x6e: {  	p0 =	sne.s32 s0, $0x0;
	s0 =	rddreg [dreg:$0x2]  }
0x6f: {  	s0 =	sadd.s32 @!p0 $0x100000, s0  }
0x70: {  	[sflag:s0] =	ssyncadd.tile.s32 @!p0 $0x1;
	_ =	shalt  }
.Lfunc_end2:
_tile_overlayer_lowered:
.L_overlay_start_2:
0x71: {  	(tag) =	ssettag $0x2  }
0x72: {  	s0 =	rddreg [dreg:$0x0];
	s2 =	stileid.u32  }
0x73: {  	s1 =	rddreg [dreg:$0x1];
	p0 =	sne.s32 s2, $0x0  }
0x74: {  	s3 =	rddreg [dreg:$0x2];
	[bflag:$0x3] =	sbarrier.arrive $0xFFFF;
	s2 =	simm.s32 @!p0 $0x1C02  }
0x75: {  	[timem:s3], [sflag:s2] =	dma.local @!p0 [hbm:s0], s1  }
0x76: {  	s0 =	simm.s32 @!p0 $0x2  }
0x77: {  	_ =	swait.ge @!p0 [sflag:s0], s1  }
0x78: {  	s1 =	ssub.s32 @!p0 $0x0, s1;
	[sflag:s0] =	ssyncset.done @!p0 $0x0  }
0x79: {  	[sflag:s0] =	ssyncadd.s32 @!p0 s1  }
0x7a: {  	[bflag:$0x3] =	sbarrier.arrive $0xFFFF  }
0x7b: {  	_ =	shalt  }

// kernel: kernel.9.cloned.1.call-start
scs
__scs_entry_jumppad:
0x0: {  	(pc) =	sbr.rel $0x88, $3  }
0x1: {  	(tag) =	ssettag $0x0;
	lr =	simm.s32 $0x1  }
0x2: {  	[smem:$0x3F99] =	sst lr;
	_ =	strace $0xD0000000  }
0x3: {  	_ = 	snop  }
0x4: {  	_ = 	snop  }
0x5: {  	_ = 	snop  }
0x6: {  	_ = 	snop  }
0x7: {  	_ = 	snop  }
__scs_overlays_trampoline_lowered:
0x8: {  	[smem:$0x3FA8] =	sst s0  }
0x9: {  	[smem:$0x3FA9] =	sst s1  }
0xa: {  	[smem:$0x3FAA] =	sst s2  }
0xb: {  	[smem:$0x3FAB] =	sst s3  }
0xc: {  	[smem:$0x3FAC] =	sst s4  }
0xd: {  	[smem:$0x3FAD] =	sst s5  }
0xe: {  	[smem:$0x3FAE] =	sst s6  }
0xf: {  	[smem:$0x3FAF] =	sst s7  }
0x10: {  	[smem:$0x3FB0] =	sst s8  }
0x11: {  	[smem:$0x3FB1] =	sst s9;
	s0 =	simm.s32 @!p0 $0x0  }
0x12: {  	s1 =	sld [smem:$0x3F97];
	s0 =	simm.s32 @p0 $0x1  }
0x13: {  	[smem:$0x3FB2] =	sst s0;
	s0 =	simm.s32 @!p1 $0x0  }
0x14: {  	s2 =	sld [smem:$0x3F96];
	s0 =	simm.s32 @p1 $0x1  }
0x15: {  	[smem:$0x3FB3] =	sst s0;
	s0 =	simm.s32 @!p2 $0x0  }
0x16: {  	s3 =	sld [smem:$0x3FDB];
	s0 =	simm.s32 @p2 $0x1  }
0x17: {  	s4 =	simm.s32 $0x1BF5;
	[smem:$0x3FB5] =	sst s0  }
0x18: {  	s0 =	sld [smem:$0x3F98];
	_ =	swait.ge [sflag:s4], $0x0  }
0x19: {  	s7 =	sld [smem:$0x3F99]  }
0x1a: {  	s8 =	sadd.s32 $0xFFFFE003, lr  }
0x1b: {  	s9 =	sadd.s32 $0xFFFFFEF7, lr;
	s5 =	simm.s32 $0xFFFFFFFF;
	p2 =	slt.u32 s8, $0xFFFFF086  }
0x1c: {  	p1 =	slt.u32 s9, $0xF7A;
	s5 =	simm.s32 @!p2 $0x0  }
0x1d: {  	s5 =	simm.s32 @p1 $0x1;
	p0 =	seq.s32 s7, s2  }
0x1e: {  	s7 =	smul.u32 @!p0 $0xF7A, s2;
	p2 =	seq.s32 @!p0 s5, $0x0  }
0x1f: {  	s9 =	smul.u32 $0xF7A, s1;
	s8 =	simm.s32 @!p0 $0x1BF5;
	p2 =	por !p2, p0  }
0x20: {  	[sflag:s8] =	ssyncset.s32 @!p0 $0xFFFFF086;
	s6 =	sadd.s32 @!p0 s3, s7;
	s7 =	simm.s32 @!p0 $0x108  }
0x21: {  	s3 =	sadd.s32 s3, s9;
	s6 =	sadd.s32 @!p0 $0x88, s6;
	s7 =	simm.s32 @p2 $0x1082  }
0x22: {  	[simem:s7], [sflag:s8] =	dma.local @!p0 [hbm:s6], $0xF7A  }
0x23: {  	s9 =	sor.u32 $0xD0000000, s2;
	s6 =	simm.s32 $0x108;
	_ =	swait.ge @!p0 [sflag:s8], $0x0  }
0x24: {  	s3 =	sadd.s32 $0x88, s3;
	s6 =	simm.s32 @!p1 $0x1082;
	[sflag:s4] =	ssyncset.s32 $0xFFFFF086  }
0x25: {  	[simem:s6], [sflag:s4] =	dma.local [hbm:s3], $0xF7A  }
0x26: {  	[smem:$0x3F99] =	sst s1;
	(tag) =	ssettag s2;
	_ =	strace s9  }
0x27: {  	s1 =	sld [smem:$0x3FA9]  }
0x28: {  	s2 =	sld [smem:$0x3FAA]  }
0x29: {  	s4 =	sld [smem:$0x3FAC]  }
0x2a: {  	p0 =	seq.s32 s5, $0x0;
	s5 =	sld [smem:$0x3FAD]  }
0x2b: {  	s6 =	sld [smem:$0x3FAE]  }
0x2c: {  	s7 =	sld [smem:$0x3FAF]  }
0x2d: {  	s3 =	simm.s32 $0x108;
	s8 =	sld [smem:$0x3FB0]  }
0x2e: {  	s3 =	simm.s32 @!p0 $0x1082;
	s9 =	sld [smem:$0x3FB1]  }
0x2f: {  	lr =	sadd.s32 s0, s3;
	s0 =	sld [smem:$0x3FA8]  }
0x30: {  	s3 =	sld [smem:$0x3FAB]  }
0x31: {  	[smem:$0x3FB4] =	sst s10  }
0x32: {  	s10 =	sld [smem:$0x3FB2];
	_ =	sdelay $0x3  }
0x33: {  	p0 =	seq.s32 s10, $0x1;
	s10 =	sld [smem:$0x3FB4];
	_ =	sdelay $0x3  }
0x34: {  	[smem:$0x3FB4] =	sst s10  }
0x35: {  	s10 =	sld [smem:$0x3FB3];
	_ =	sdelay $0x3  }
0x36: {  	p1 =	seq.s32 s10, $0x1;
	s10 =	sld [smem:$0x3FB4];
	_ =	sdelay $0x3  }
0x37: {  	[smem:$0x3FB4] =	sst s10  }
0x38: {  	s10 =	sld [smem:$0x3FB5]  }
0x39: {  	_ = 	snop;
	(pc) =	sbr.ind lr, $3  }
0x3a: {  	_ = 	snop  }
0x3b: {  	_ = 	snop  }
0x3c: {  	p2 =	seq.s32 s10, $0x1;
	s10 =	sld [smem:$0x3FB4]  }
0x3d: {  	_ =	shalt  }
0x3e: {  	_ =	shalt  }
0x3f: {  	_ =	shalt  }
0x40: {  	_ =	shalt  }
0x41: {  	_ =	shalt  }
0x42: {  	_ =	shalt  }
0x43: {  	_ =	shalt  }
0x44: {  	_ =	shalt  }
0x45: {  	_ =	shalt  }
0x46: {  	_ =	shalt  }
0x47: {  	_ =	shalt  }
0x48: {  	_ =	shalt  }
0x49: {  	_ =	shalt  }
0x4a: {  	_ =	shalt  }
0x4b: {  	_ =	shalt  }
0x4c: {  	_ =	shalt  }
0x4d: {  	_ =	shalt  }
0x4e: {  	_ =	shalt  }
0x4f: {  	_ =	shalt  }
0x50: {  	_ =	shalt  }
0x51: {  	_ =	shalt  }
0x52: {  	_ =	shalt  }
0x53: {  	_ =	shalt  }
0x54: {  	_ =	shalt  }
0x55: {  	_ =	shalt  }
0x56: {  	_ =	shalt  }
0x57: {  	_ =	shalt  }
0x58: {  	_ =	shalt  }
0x59: {  	_ =	shalt  }
0x5a: {  	_ =	shalt  }
0x5b: {  	_ =	shalt  }
0x5c: {  	_ =	shalt  }
0x5d: {  	_ =	shalt  }
0x5e: {  	_ =	shalt  }
0x5f: {  	_ =	shalt  }
0x60: {  	_ =	shalt  }
0x61: {  	_ =	shalt  }
0x62: {  	_ =	shalt  }
0x63: {  	_ =	shalt  }
0x64: {  	_ =	shalt  }
0x65: {  	_ =	shalt  }
0x66: {  	_ =	shalt  }
0x67: {  	_ =	shalt  }
0x68: {  	_ =	shalt  }
0x69: {  	_ =	shalt  }
0x6a: {  	_ =	shalt  }
0x6b: {  	_ =	shalt  }
0x6c: {  	_ =	shalt  }
0x6d: {  	_ =	shalt  }
0x6e: {  	_ =	shalt  }
0x6f: {  	_ =	shalt  }
0x70: {  	_ =	shalt  }
0x71: {  	_ =	shalt  }
0x72: {  	_ =	shalt  }
0x73: {  	_ =	shalt  }
0x74: {  	_ =	shalt  }
0x75: {  	_ =	shalt  }
0x76: {  	_ =	shalt  }
0x77: {  	_ =	shalt  }
0x78: {  	_ =	shalt  }
0x79: {  	_ =	shalt  }
0x7a: {  	_ =	shalt  }
0x7b: {  	_ =	shalt  }
0x7c: {  	_ =	shalt  }
0x7d: {  	_ =	shalt  }
0x7e: {  	_ =	shalt  }
0x7f: {  	_ =	shalt  }
0x80: {  	_ =	shalt  }
0x81: {  	_ =	shalt  }
0x82: {  	_ =	shalt  }
0x83: {  	_ =	shalt  }
0x84: {  	_ =	shalt  }
0x85: {  	_ =	shalt  }
0x86: {  	_ =	shalt  }
0x87: {  	_ =	shalt  }
.Lfunc_end0:
.L_simem_size_0:
called_computation.1_lowered:
.L_overlay_start_0:
0x88: {  	s2 =	sld [smem:$0x3FD9]  }
0x89: {  	s3 =	sld [smem:$0x3FFE];
	_ =	sdelay $0x1  }
0x8a: {  	s1 =	srdreg.scid  }
0x8b: {  	s0 =	sand.u32 $0x1, s1  }
0x8c: {  	s14 =	sshll.u32 s0, $0xA;
	s2 =	sadd.s32 s3, s2  }
0x8d: {  	s2 =	sadd.s32 s2, s14  }
0x8e: {  	[smem:$0x3FC0] =	sst s2  }
0x8f: {  	_ = 	snop  }
0x90: {  	s2 =	sld [smem:$0x3FD0];
	_ =	sdelay $0x2  }
0x91: {  	s4 =	simm.s32 $0xA;
	s5 =	simm.s32 $0x10;
	s15 =	sld [smem:$0x3FC9]  }
0x92: {  	[smem:s5], [sflag:s4] =	dma.local [hbm:s2], $0x1  }
0x93: {  	_ =	swait.eq [sflag:s4], $0x1  }
0x94: {  	[sflag:s4] =	ssyncset.done $0x0  }
0x95: {  	[sflag:s4] =	ssyncadd.s32 $0xFFFFFFFF  }
0x96: {  	s16 =	sld [smem:$0x10];
	(tm) =	ssettm $0x1  }
0x97: {  	s17 =	sld [smem:$0x3FFB];
	_ =	sdelay $0x3  }
0x98: {  	_ =	strace s17  }
0x99: {  	s4 =	sld [smem:$0x3FFC];
	_ =	sdelay $0x3  }
0x9a: {  	_ =	strace s4  }
0x9b: {  	s4 =	sld [smem:$0x3FFD];
	_ =	sdelay $0x3  }
0x9c: {  	_ =	strace s4  }
0x9d: {  	_ =	strace $0x8FFFFFFF  }
0x9e: {  	s18 =	sld [smem:$0x3FDB];
	_ =	sdelay $0x1  }
0x9f: {  	s19 =	simm.s32 $_scs_section_size  }
0xa0: {  	s6 =	simm.s32 $_size__tile_overlayer_lowered;
	s7 =	simm.s32 $_tile_overlayer_lowered  }
0xa1: {  	s22 =	simm.s32 $0x1BFF;
	s21 =	sshll.u32 s7, $0x1;
	s4 =	sadd.s32 s19, s18  }
0xa2: {  	s8 =	simm.s32 $0x0;
	s20 =	sshll.u32 s6, $0x1;
	s6 =	sadd.s32 s21, s4  }
0xa3: {  	[timem:s8], [sflag:s22] =	dma.local [hbm:s6], s20  }
0xa4: {  	_ =	swait.ge [sflag:s22], s20  }
0xa5: {  	s5 =	ssub.s32 $0x0, s20;
	[sflag:s22] =	ssyncset.done $0x0  }
0xa6: {  	[sflag:s22] =	ssyncadd.s32 s5;
	_ =	sdelay $0x1  }
0xa7: {  	s23 =	simm.s32 $0x1B8B  }
0xa8: {  	_ =	swait.ge [sflag:s23], $0x1  }
0xa9: {  	[sflag:s23] =	ssyncset.done $0x0  }
0xaa: {  	s25 =	simm.s32 $0x1B8E;
	s24 =	sld [smem:$0x3FFE];
	[sflag:s23] =	ssyncadd.s32 $0xFFFFFFFF  }
0xab: {  	s26 =	simm.s32 $execute0_lowered;
	[smem:$0x3FD2] =	sst s25  }
0xac: {  	s6 =	sshll.u32 s26, $0x1;
	_ =	strace $0x80000049;
	[dreg:$0x1] =	wrdreg $0xFFFFFFFF  }
0xad: {  	s28 =	simm.s32 $_size_execute0_lowered;
	s4 =	sadd.s32 s4, s6;
	[dreg:$0x0] =	wrdreg $0x0  }
0xae: {  	s6 =	sshll.u32 s28, $0x1;
	[dreg:$0x2] =	wrdreg s4  }
0xaf: {  	[dreg:$0x3] =	wrdreg s6  }
0xb0: {  	[dreg:$0x4] =	wrdreg $0xC0  }
0xb1: {  	_ =	task [dreg:s8], $0x5FFFF  }
0xb2: {  	[dreg:$0x1] =	wrdreg $0xFFFFFFFF  }
0xb3: {  	[dreg:$0x0] =	wrdreg $0x60  }
0xb4: {  	[dreg:$0x2] =	wrdreg s24  }
0xb5: {  	[dreg:$0x3] =	wrdreg s15  }
0xb6: {  	[dreg:$0x4] =	wrdreg s16  }
0xb7: {  	[dreg:$0x5] =	wrdreg $0x9  }
0xb8: {  	_ =	task.clear_ibuf [dreg:s8], $0x6FFFF;
	_ =	strace $0x90000049  }
0xb9: {  	s29 =	simm.s32 $0x9;
	_ =	strace $0x8000004B  }
0xba: {  	_ =	swait.ge [sflag:s29], $0x1  }
0xbb: {  	[sflag:s29] =	ssyncadd.s32 $0xFFFFFFFF  }
0xbc: {  	_ =	strace $0x9000004B  }
0xbd: {  	_ =	sfence  }
0xbe: {  	s30 =	sld [smem:$0x0];
	_ =	sdelay $0x2  }
0xbf: {  	s31 =	sshll.u32 s1, $0xD;
	s1 =	sshrl.u32 s1, $0x2  }
0xc0: {  	s3 =	sand.u32 $0x4000, s31;
	s1 =	sadd.s32 s1, s30  }
0xc1: {  	s0 =	sor.u32 s3, s0;
	s1 =	sshll.u32 s1, $0x11  }
0xc2: {  	s0 =	sor.u32 s1, s0  }
0xc3: {  	s0 =	sadd.s32 $0x8F2B, s0  }
0xc4: {  	[sflag:s0] =	ssyncadd.remote.s32 $0x1  }
0xc5: {  	_ =	sfence.sel $0xFFFF  }
0xc6: {  	[dreg:$0x0] =	wrdreg $0xFFFFFFFF;
	(pc) =	sbr.abs _section_cstart, $3  }
0xc7: {  	[dreg:$0x1] =	wrdreg $0xFFFFFFFF  }
0xc8: {  	_ =	task.clear_ibuf [dreg:s8], $0x2FFFF;
	_ =	strace $0x9FFFFFFF  }
0xc9: {  	(tm) =	ssettm $0x7FFFFFFF  }
tec
execute0_lowered:
.L_overlay_start_1:
0x0: {  	(tag) =	ssettag $0x1  }
0x1: {  	s0 =	rddreg [dreg:$0x0]  }
0x2: {  	s1 =	rddreg [dreg:$0x1]  }
0x3: {  	s8 =	rddreg [dreg:$0x2]  }
0x4: {  	s2 =	srdreg.scid;
	s4 =	stileid.u32  }
0x5: {  	s11 =	simm.s32 $0xC080;
	s22 =	simm.s32 $0x5080;
	s23 =	simm.s32 $0x5880  }
0x6: {  	s24 =	simm.s32 $0x6080;
	s25 =	simm.s32 $0x6880;
	s28 =	simm.s32 $0x7880  }
0x7: {  	s29 =	simm.s32 $0x8080;
	s30 =	simm.s32 $0x8880;
	s31 =	simm.s32 $0x9080  }
0x8: {  	s12 =	simm.s32 $0xA880;
	s13 =	simm.s32 $0xB080;
	s14 =	simm.s32 $0xB880  }
0x9: {  	s15 =	simm.s32 $0x1;
	s16 =	simm.s32 $0x0;
	s3 =	sand.u32 $0x1, s2  }
0xa: {  	s2 =	simm.s32 $0x0;
	s4 =	sshll.u32 s4, $0x4;
	s7 =	sadd.s32 $0x400, s0  }
0xb: {  	s5 =	sshll.u32 s3, $0x3;
	[smem:$0x7FF] =	sst s2;
	s6 =	ssub.s32 $0x2, s3  }
0xc: {  	s3 =	sadd.s32 $0x200, s0;
	s4 =	sor.u32 s5, s4;
	s26 =	sshrl.u32 s6, $0x1  }
0xd: {  	_ =	strace $0x8000004A;
	s9 =	smul.u32 $0x300, s4;
	s10 =	ssub.s32 s6, s26  }
0xe: {  	v2 =	vlaneseq.u32;
	s4 =	sadd.s32 s0, s4;
	s6 =	sadd.s32 $0x300, s0;
	s26 =	simm.s32 $0x7080  }
0xf: {  	vm0 =	vmmov $0xffff;
	v1 =	vshrl.u32 v2, $0x3;
	s0 =	simm.s32 $0x9880;
	s5 =	sadd.s32 s1, s9;
	s8 =	sadd.s32 s8, s9  }
0x10: {  	v0 =	vand.u32 $0x7, v2;
	v2 =	vor.u32 $0x8, v2;
	v1 =	vmul.u32 $0x8, v1;
	s9 =	smax.u32 s10, $0x1;
	s10 =	simm.s32 $0x2;
	s1 =	simm.s32 $0xA080  }
.LBB2_1:
0x11: {  	[tilespmem:s2], [sflag:$0x2] =	stream.linear.gather [hbm4b:s4+s2], $0x40, $0x38;
	[tilespmem:$0x18080] =	vst v63  }
0x12: {  	_ =	swait.ge [sflag:s10], $0x40  }
0x13: {  	[sflag:s10] =	ssyncset.done $0x0  }
0x14: {  	[sflag:s10] =	ssyncadd.s32 $0xFFFFFFC0  }
0x15: {  	[tilespmem:s11], [sflag:$0x2] =	stream.linear.gather [hbm4b:s5+s2], $0xC000, $0x38;
	[tilespmem:$0x18080] =	vst v63  }
0x16: {  	_ =	swait.ge [sflag:s10], $0xC000  }
0x17: {  	[sflag:s10] =	ssyncset.done $0x0  }
0x18: {  	[sflag:s10] =	ssyncadd.s32 $0xFFFF4000  }
0x19: {  	v3 =	vld [tilespmem:$0x0];
	_ =	sdelay $0x4  }
0x1a: {  	v4 =	vshrl.u32 v3, $0x3  }
0x1b: {  	v4 =	vmul.u32 $0x30, v4  }
0x1c: {  	v3 =	vand.u32 $0x7, v3  }
0x1d: {  	v3 =	vor.u32 v3, v4  }
0x1e: {  	v4 =	vperm.xlane v3, v0;
	_ =	sdelay $0x1  }
0x1f: {  	v4 =	vadd.s32 v1, v4;
	_ =	sdelay $0x3  }
0x20: {  	s17 =	simm.s32 $0x80;
	v3 =	vperm.xlane v3, v2  }
0x21: {  	[tilespmem:s17], [sflag:$0x1] =	stream.indirect_vreg.gather [hbm4b:s3+s2], $0x80, v4, vm0, $0xb8;
	[tilespmem:$0x18080] =	vst v63  }
0x22: {  	s20 =	simm.s32 $0x880;
	v3 =	vadd.s32 v1, v3  }
0x23: {  	[tilespmem:s20], [sflag:$0x1] =	stream.indirect_vreg.gather [hbm4b:s6+s2], $0x80, v4, vm0, $0xb8;
	[tilespmem:$0x18080] =	vst v63  }
0x24: {  	s21 =	simm.s32 $0x1080  }
0x25: {  	[tilespmem:s21], [sflag:$0x1] =	stream.indirect_vreg.gather [hbm4b:s7+s2], $0x80, v4, vm0, $0xb8;
	[tilespmem:$0x18080] =	vst v63  }
0x26: {  	s18 =	simm.s32 $0x1880  }
0x27: {  	[tilespmem:s18], [sflag:$0x1] =	stream.indirect_vreg.gather [hbm4b:s3+s2], $0x80, v3, vm0, $0xb8;
	[tilespmem:$0x18080] =	vst v63  }
0x28: {  	s19 =	simm.s32 $0x2080  }
0x29: {  	[tilespmem:s19], [sflag:$0x1] =	stream.indirect_vreg.gather [hbm4b:s6+s2], $0x80, v3, vm0, $0xb8;
	[tilespmem:$0x18080] =	vst v63  }
0x2a: {  	s20 =	simm.s32 $0x2880  }
0x2b: {  	[tilespmem:s20], [sflag:$0x1] =	stream.indirect_vreg.gather [hbm4b:s7+s2], $0x80, v3, vm0, $0xb8;
	[tilespmem:$0x18080] =	vst v63  }
0x2c: {  	v3 =	vld [tilespmem:$0x10];
	_ =	sdelay $0x4  }
0x2d: {  	v4 =	vshrl.u32 v3, $0x3  }
0x2e: {  	v4 =	vmul.u32 $0x30, v4  }
0x2f: {  	v3 =	vand.u32 $0x7, v3  }
0x30: {  	v3 =	vor.u32 v3, v4  }
0x31: {  	v4 =	vperm.xlane v3, v0;
	_ =	sdelay $0x1  }
0x32: {  	v4 =	vadd.s32 v1, v4;
	_ =	sdelay $0x3  }
0x33: {  	s21 =	simm.s32 $0x3080;
	v3 =	vperm.xlane v3, v2  }
0x34: {  	[tilespmem:s21], [sflag:$0x1] =	stream.indirect_vreg.gather [hbm4b:s3+s2], $0x80, v4, vm0, $0xb8;
	[tilespmem:$0x18080] =	vst v63  }
0x35: {  	s18 =	simm.s32 $0x3880;
	v3 =	vadd.s32 v1, v3  }
0x36: {  	[tilespmem:s18], [sflag:$0x1] =	stream.indirect_vreg.gather [hbm4b:s6+s2], $0x80, v4, vm0, $0xb8;
	[tilespmem:$0x18080] =	vst v63  }
0x37: {  	s19 =	simm.s32 $0x4080  }
0x38: {  	[tilespmem:s19], [sflag:$0x1] =	stream.indirect_vreg.gather [hbm4b:s7+s2], $0x80, v4, vm0, $0xb8;
	[tilespmem:$0x18080] =	vst v63  }
0x39: {  	s20 =	simm.s32 $0x4880  }
0x3a: {  	[tilespmem:s20], [sflag:$0x1] =	stream.indirect_vreg.gather [hbm4b:s3+s2], $0x80, v3, vm0, $0xb8;
	[tilespmem:$0x18080] =	vst v63  }
0x3b: {  	_ = 	snop  }
0x3c: {  	[tilespmem:s22], [sflag:$0x1] =	stream.indirect_vreg.gather [hbm4b:s6+s2], $0x80, v3, vm0, $0xb8;
	[tilespmem:$0x18080] =	vst v63  }
0x3d: {  	_ = 	snop  }
0x3e: {  	[tilespmem:s23], [sflag:$0x1] =	stream.indirect_vreg.gather [hbm4b:s7+s2], $0x80, v3, vm0, $0xb8;
	[tilespmem:$0x18080] =	vst v63  }
0x3f: {  	v3 =	vld [tilespmem:$0x20];
	_ =	sdelay $0x4  }
0x40: {  	v4 =	vshrl.u32 v3, $0x3  }
0x41: {  	v4 =	vmul.u32 $0x30, v4  }
0x42: {  	v3 =	vand.u32 $0x7, v3  }
0x43: {  	v3 =	vor.u32 v3, v4  }
0x44: {  	v4 =	vperm.xlane v3, v0;
	_ =	sdelay $0x1  }
0x45: {  	v4 =	vadd.s32 v1, v4;
	_ =	sdelay $0x3  }
0x46: {  	v3 =	vperm.xlane v3, v2  }
0x47: {  	[tilespmem:s24], [sflag:$0x1] =	stream.indirect_vreg.gather [hbm4b:s3+s2], $0x80, v4, vm0, $0xb8;
	[tilespmem:$0x18080] =	vst v63  }
0x48: {  	v3 =	vadd.s32 v1, v3  }
0x49: {  	[tilespmem:s25], [sflag:$0x1] =	stream.indirect_vreg.gather [hbm4b:s6+s2], $0x80, v4, vm0, $0xb8;
	[tilespmem:$0x18080] =	vst v63  }
0x4a: {  	_ = 	snop  }
0x4b: {  	[tilespmem:s26], [sflag:$0x1] =	stream.indirect_vreg.gather [hbm4b:s7+s2], $0x80, v4, vm0, $0xb8;
	[tilespmem:$0x18080] =	vst v63  }
0x4c: {  	_ = 	snop  }
0x4d: {  	[tilespmem:s28], [sflag:$0x1] =	stream.indirect_vreg.gather [hbm4b:s3+s2], $0x80, v3, vm0, $0xb8;
	[tilespmem:$0x18080] =	vst v63  }
0x4e: {  	_ = 	snop  }
0x4f: {  	[tilespmem:s29], [sflag:$0x1] =	stream.indirect_vreg.gather [hbm4b:s6+s2], $0x80, v3, vm0, $0xb8;
	[tilespmem:$0x18080] =	vst v63  }
0x50: {  	_ = 	snop  }
0x51: {  	[tilespmem:s30], [sflag:$0x1] =	stream.indirect_vreg.gather [hbm4b:s7+s2], $0x80, v3, vm0, $0xb8;
	[tilespmem:$0x18080] =	vst v63  }
0x52: {  	v3 =	vld [tilespmem:$0x30];
	_ =	sdelay $0x4  }
0x53: {  	v4 =	vshrl.u32 v3, $0x3  }
0x54: {  	v4 =	vmul.u32 $0x30, v4  }
0x55: {  	v3 =	vand.u32 $0x7, v3  }
0x56: {  	v3 =	vor.u32 v3, v4  }
0x57: {  	v4 =	vperm.xlane v3, v0;
	_ =	sdelay $0x1  }
0x58: {  	v4 =	vadd.s32 v1, v4;
	_ =	sdelay $0x3  }
0x59: {  	v3 =	vperm.xlane v3, v2  }
0x5a: {  	[tilespmem:s31], [sflag:$0x1] =	stream.indirect_vreg.gather [hbm4b:s3+s2], $0x80, v4, vm0, $0xb8;
	[tilespmem:$0x18080] =	vst v63  }
0x5b: {  	v3 =	vadd.s32 v1, v3  }
0x5c: {  	[tilespmem:s0], [sflag:$0x1] =	stream.indirect_vreg.gather [hbm4b:s6+s2], $0x80, v4, vm0, $0xb8;
	[tilespmem:$0x18080] =	vst v63  }
0x5d: {  	_ = 	snop  }
0x5e: {  	[tilespmem:s1], [sflag:$0x1] =	stream.indirect_vreg.gather [hbm4b:s7+s2], $0x80, v4, vm0, $0xb8;
	[tilespmem:$0x18080] =	vst v63  }
0x5f: {  	_ = 	snop  }
0x60: {  	[tilespmem:s12], [sflag:$0x1] =	stream.indirect_vreg.gather [hbm4b:s3+s2], $0x80, v3, vm0, $0xb8;
	[tilespmem:$0x18080] =	vst v63  }
0x61: {  	_ = 	snop  }
0x62: {  	[tilespmem:s13], [sflag:$0x1] =	stream.indirect_vreg.gather [hbm4b:s6+s2], $0x80, v3, vm0, $0xb8;
	[tilespmem:$0x18080] =	vst v63  }
0x63: {  	s21 =	simm.s32 $0x0  }
0x64: {  	[tilespmem:s14], [sflag:$0x1] =	stream.indirect_vreg.gather [hbm4b:s7+s2], $0x80, v3, vm0, $0xb8;
	[tilespmem:$0x18080] =	vst v63  }
0x65: {  	s17 =	smul.u32 $0x1800, s21;
	_ =	swait.ge [sflag:s15], $0xC000  }
0x66: {  	s18 =	sand.u32 $0x380, s2;
	[sflag:s15] =	ssyncset.done $0x0  }
0x67: {  	s17 =	sor.u32 s18, s17;
	[sflag:s15] =	ssyncadd.s32 $0xFFFF4000  }
0x68: {  	v12 =	vld [tilespmem:s17+$0x80]  }
0x69: {  	v13 =	vld [tilespmem:s17+$0x90]  }
0x6a: {  	v14 =	vld [tilespmem:s17+$0xA0]  }
0x6b: {  	v15 =	vld [tilespmem:s17+$0xB0]  }
0x6c: {  	v16 =	vld [tilespmem:s17+$0xC0]  }
0x6d: {  	v17 =	vld [tilespmem:s17+$0xD0]  }
0x6e: {  	v18 =	vld [tilespmem:s17+$0xE0]  }
0x6f: {  	v19 =	vld [tilespmem:s17+$0xF0]  }
0x70: {  	v20 =	vld [tilespmem:s17+$0x480]  }
0x71: {  	v21 =	vld [tilespmem:s17+$0x490]  }
0x72: {  	v22 =	vld [tilespmem:s17+$0x4A0]  }
0x73: {  	v23 =	vld [tilespmem:s17+$0x4B0]  }
0x74: {  	v24 =	vld [tilespmem:s17+$0x4C0]  }
0x75: {  	v25 =	vld [tilespmem:s17+$0x4D0]  }
0x76: {  	v26 =	vld [tilespmem:s17+$0x4E0]  }
0x77: {  	v27 =	vld [tilespmem:s17+$0x4F0]  }
0x78: {  	v28 =	vld [tilespmem:s17+$0x880]  }
0x79: {  	v29 =	vld [tilespmem:s17+$0x890]  }
0x7a: {  	v30 =	vld [tilespmem:s17+$0x8A0]  }
0x7b: {  	v31 =	vld [tilespmem:s17+$0x8B0]  }
0x7c: {  	v32 =	vld [tilespmem:s17+$0x8C0]  }
0x7d: {  	v33 =	vld [tilespmem:s17+$0x8D0]  }
0x7e: {  	v34 =	vld [tilespmem:s17+$0x8E0]  }
0x7f: {  	v35 =	vld [tilespmem:s17+$0x8F0]  }
0x80: {  	v36 =	vld [tilespmem:s17+$0xC80]  }
0x81: {  	v37 =	vld [tilespmem:s17+$0xC90]  }
0x82: {  	v38 =	vld [tilespmem:s17+$0xCA0]  }
0x83: {  	v39 =	vld [tilespmem:s17+$0xCB0]  }
0x84: {  	v40 =	vld [tilespmem:s17+$0xCC0]  }
0x85: {  	v41 =	vld [tilespmem:s17+$0xCD0]  }
0x86: {  	v42 =	vld [tilespmem:s17+$0xCE0]  }
0x87: {  	v43 =	vld [tilespmem:s17+$0xCF0]  }
0x88: {  	v44 =	vld [tilespmem:s17+$0x1080]  }
0x89: {  	v45 =	vld [tilespmem:s17+$0x1090]  }
0x8a: {  	v46 =	vld [tilespmem:s17+$0x10A0]  }
0x8b: {  	v47 =	vld [tilespmem:s17+$0x10B0]  }
0x8c: {  	v48 =	vld [tilespmem:s17+$0x10C0]  }
0x8d: {  	v49 =	vld [tilespmem:s17+$0x10D0]  }
0x8e: {  	v50 =	vld [tilespmem:s17+$0x10E0]  }
0x8f: {  	v11 =	vld [tilespmem:s17+$0x10F0]  }
0x90: {  	v10 =	vld [tilespmem:s17+$0x1480]  }
0x91: {  	v9 =	vld [tilespmem:s17+$0x1490]  }
0x92: {  	v8 =	vld [tilespmem:s17+$0x14A0]  }
0x93: {  	v7 =	vld [tilespmem:s17+$0x14B0]  }
0x94: {  	v6 =	vld [tilespmem:s17+$0x14C0]  }
0x95: {  	v51 =	vld [tilespmem:s17+$0xC080]  }
0x96: {  	v52 =	vld [tilespmem:s17+$0xC090]  }
0x97: {  	v53 =	vld [tilespmem:s17+$0xC0A0]  }
0x98: {  	v54 =	vld [tilespmem:s17+$0xC0B0]  }
0x99: {  	v55 =	vld [tilespmem:s17+$0xC0C0]  }
0x9a: {  	v62 =	vld [tilespmem:s17+$0xC0D0];
	v12 =	vadd.f32 v12, v51  }
0x9b: {  	v63 =	vld [tilespmem:s17+$0xC0E0];
	v13 =	vadd.f32 v13, v52  }
0x9c: {  	[tilespmem:s17+$0xC080] =	vst v12;
	v12 =	vadd.f32 v14, v53;
	v14 =	vld [tilespmem:s17+$0xC0F0]  }
0x9d: {  	[tilespmem:s17+$0xC090] =	vst v13;
	v13 =	vadd.f32 v15, v54;
	v15 =	vld [tilespmem:s17+$0xC480]  }
0x9e: {  	[tilespmem:s17+$0xC0A0] =	vst v12;
	v12 =	vadd.f32 v16, v55;
	v16 =	vld [tilespmem:s17+$0xC490]  }
0x9f: {  	[tilespmem:s17+$0xC0B0] =	vst v13;
	v13 =	vadd.f32 v17, v62;
	v17 =	vld [tilespmem:s17+$0xC4A0]  }
0xa0: {  	v5 =	vld [tilespmem:s17+$0x14D0]  }
0xa1: {  	[tilespmem:s17+$0xC0C0] =	vst v12;
	v12 =	vadd.f32 v18, v63;
	v18 =	vld [tilespmem:s17+$0xC4F0]  }
0xa2: {  	[tilespmem:s17+$0xC0D0] =	vst v13;
	v13 =	vadd.f32 v19, v14;
	v14 =	vld [tilespmem:s17+$0xC4B0]  }
0xa3: {  	[tilespmem:s17+$0xC0E0] =	vst v12;
	v12 =	vadd.f32 v20, v15;
	v15 =	vld [tilespmem:s17+$0xC4C0]  }
0xa4: {  	[tilespmem:s17+$0xC0F0] =	vst v13;
	v13 =	vadd.f32 v21, v16;
	v16 =	vadd.f32 v22, v17;
	v17 =	vld [tilespmem:s17+$0xC4E0]  }
0xa5: {  	[tilespmem:s17+$0xC480] =	vst v12;
	v12 =	vld [tilespmem:s17+$0xC4D0]  }
0xa6: {  	[tilespmem:s17+$0xC490] =	vst v13;
	v13 =	vld [tilespmem:s17+$0xC880];
	v18 =	vadd.f32 v27, v18  }
0xa7: {  	[tilespmem:s17+$0xC4A0] =	vst v16;
	v16 =	vld [tilespmem:s17+$0xC890];
	v14 =	vadd.f32 v23, v14  }
0xa8: {  	v4 =	vld [tilespmem:s17+$0x14E0];
	v15 =	vadd.f32 v24, v15;
	[tilespmem:s17+$0xC4F0] =	vst v18  }
0xa9: {  	[tilespmem:s17+$0xC4B0] =	vst v14;
	v14 =	vld [tilespmem:s17+$0xC8A0];
	v17 =	vadd.f32 v26, v17  }
0xaa: {  	v12 =	vadd.f32 v25, v12;
	[tilespmem:s17+$0xC4C0] =	vst v15;
	v15 =	vld [tilespmem:s17+$0xC8B0]  }
0xab: {  	v18 =	vld [tilespmem:s17+$0xC8F0];
	[tilespmem:s17+$0xC4E0] =	vst v17;
	v13 =	vadd.f32 v28, v13  }
0xac: {  	v16 =	vadd.f32 v29, v16;
	[tilespmem:s17+$0xC4D0] =	vst v12;
	v12 =	vld [tilespmem:s17+$0xC8C0]  }
0xad: {  	v17 =	vld [tilespmem:s17+$0xC8D0];
	[tilespmem:s17+$0xC880] =	vst v13  }
0xae: {  	[tilespmem:s17+$0xC890] =	vst v16;
	v16 =	vld [tilespmem:s17+$0xC8E0];
	v13 =	vadd.f32 v30, v14  }
0xaf: {  	v14 =	vld [tilespmem:s17+$0xCC80];
	v15 =	vadd.f32 v31, v15  }
0xb0: {  	[tilespmem:s17+$0xC8A0] =	vst v13;
	v13 =	vld [tilespmem:s17+$0xCC90]  }
0xb1: {  	v12 =	vadd.f32 v32, v12;
	[tilespmem:s17+$0xC8B0] =	vst v15;
	v15 =	vld [tilespmem:s17+$0xCCA0]  }
0xb2: {  	v3 =	vld [tilespmem:s17+$0x14F0];
	v17 =	vadd.f32 v33, v17  }
0xb3: {  	v16 =	vadd.f32 v34, v16;
	[tilespmem:s17+$0xC8C0] =	vst v12;
	v12 =	vld [tilespmem:s17+$0xCCB0]  }
0xb4: {  	[tilespmem:s17+$0xC8D0] =	vst v17;
	v17 =	vld [tilespmem:s17+$0xCCC0];
	v14 =	vadd.f32 v36, v14  }
0xb5: {  	v18 =	vadd.f32 v35, v18;
	[tilespmem:s17+$0xC8E0] =	vst v16;
	v16 =	vld [tilespmem:s17+$0xCCD0]  }
0xb6: {  	v13 =	vadd.f32 v37, v13;
	[tilespmem:s17+$0xCC80] =	vst v14;
	v14 =	vadd.f32 v38, v15;
	v15 =	vld [tilespmem:s17+$0xCCE0]  }
0xb7: {  	[tilespmem:s17+$0xC8F0] =	vst v18;
	v18 =	vld [tilespmem:s17+$0xCCF0]  }
0xb8: {  	[tilespmem:s17+$0xCC90] =	vst v13;
	v13 =	vld [tilespmem:s17+$0xD080];
	v12 =	vadd.f32 v39, v12  }
0xb9: {  	v17 =	vadd.f32 v40, v17;
	[tilespmem:s17+$0xCCA0] =	vst v14;
	v14 =	vld [tilespmem:s17+$0xD090]  }
0xba: {  	v16 =	vadd.f32 v41, v16;
	[tilespmem:s17+$0xCCB0] =	vst v12;
	v12 =	vld [tilespmem:s17+$0xD0A0]  }
0xbb: {  	[tilespmem:s17+$0xCCC0] =	vst v17;
	v17 =	vld [tilespmem:s17+$0xD0B0];
	v15 =	vadd.f32 v42, v15  }
0xbc: {  	v19 =	vld [tilespmem:s17+$0xD0C0];
	[tilespmem:s17+$0xCCD0] =	vst v16;
	v16 =	vadd.f32 v43, v18  }
0xbd: {  	v18 =	vld [tilespmem:s17+$0xD0D0];
	v13 =	vadd.f32 v44, v13;
	[tilespmem:s17+$0xCCE0] =	vst v15  }
0xbe: {  	v20 =	vld [tilespmem:s17+$0xD0E0];
	[tilespmem:s17+$0xCCF0] =	vst v16;
	v14 =	vadd.f32 v45, v14  }
0xbf: {  	v16 =	vld [tilespmem:s17+$0xD0F0];
	[tilespmem:s17+$0xD080] =	vst v13;
	v12 =	vadd.f32 v46, v12  }
0xc0: {  	v15 =	vld [tilespmem:s17+$0xD480];
	v13 =	vadd.f32 v47, v17;
	[tilespmem:s17+$0xD090] =	vst v14  }
0xc1: {  	v14 =	vld [tilespmem:s17+$0xD490];
	[tilespmem:s17+$0xD0A0] =	vst v12;
	v12 =	vadd.f32 v48, v19  }
0xc2: {  	[tilespmem:s17+$0xD0B0] =	vst v13;
	v13 =	vld [tilespmem:s17+$0xD4A0];
	v18 =	vadd.f32 v49, v18  }
0xc3: {  	s18 =	simm.s32 $0x1;
	s19 =	simm.s32 $0x0;
	v17 =	vadd.f32 v50, v20;
	[tilespmem:s17+$0xD0C0] =	vst v12;
	v12 =	vld [tilespmem:s17+$0xD4B0]  }
.LBB2_2:
0xc4: {  	s20 =	sshrl.u32 s18, $0x3;
	p0 =	sne.s32 s18, $0x3F;
	[tilespmem:s17+$0xD0D0] =	vst v18;
	v11 =	vadd.f32 v11, v16;
	v16 =	vld [tilespmem:s17+$0xD4C0]  }
0xc5: {  	s19 =	sadd.s32 $0x80, s19;
	s20 =	smul.u32 $0x1800, s20;
	[tilespmem:s17+$0xD0E0] =	vst v17;
	v10 =	vadd.f32 v10, v15;
	v15 =	vld [tilespmem:s17+$0xD4D0]  }
0xc6: {  	s21 =	sand.u32 $0x380, s19;
	[tilespmem:s17+$0xD0F0] =	vst v11;
	v9 =	vadd.f32 v9, v14;
	v11 =	vld [tilespmem:s17+$0xD4E0]  }
0xc7: {  	s20 =	sor.u32 s21, s20;
	[tilespmem:s17+$0xD480] =	vst v10;
	v8 =	vadd.f32 v8, v13;
	v10 =	vld [tilespmem:s17+$0xD4F0]  }
0xc8: {  	v39 =	vld [tilespmem:s20+$0x80];
	[tilespmem:s17+$0xD490] =	vst v9;
	v7 =	vadd.f32 v7, v12  }
0xc9: {  	v40 =	vld [tilespmem:s20+$0x90];
	[tilespmem:s17+$0xD4A0] =	vst v8;
	v6 =	vadd.f32 v6, v16  }
0xca: {  	v41 =	vld [tilespmem:s20+$0xA0];
	[tilespmem:s17+$0xD4B0] =	vst v7;
	v5 =	vadd.f32 v5, v15  }
0xcb: {  	v42 =	vld [tilespmem:s20+$0xB0];
	[tilespmem:s17+$0xD4C0] =	vst v6;
	v4 =	vadd.f32 v4, v11  }
0xcc: {  	v43 =	vld [tilespmem:s20+$0xC0];
	[tilespmem:s17+$0xD4D0] =	vst v5;
	v3 =	vadd.f32 v3, v10  }
0xcd: {  	v44 =	vld [tilespmem:s20+$0xD0];
	[tilespmem:s17+$0xD4E0] =	vst v4  }
0xce: {  	v45 =	vld [tilespmem:s20+$0xE0];
	[tilespmem:s17+$0xD4F0] =	vst v3;
	s17 =	smov.u32 s20  }
0xcf: {  	v46 =	vld [tilespmem:s17+$0xF0]  }
0xd0: {  	v47 =	vld [tilespmem:s17+$0x480]  }
0xd1: {  	v48 =	vld [tilespmem:s17+$0x490]  }
0xd2: {  	v49 =	vld [tilespmem:s17+$0x4A0]  }
0xd3: {  	v50 =	vld [tilespmem:s17+$0x4B0]  }
0xd4: {  	v38 =	vld [tilespmem:s17+$0x4C0]  }
0xd5: {  	v37 =	vld [tilespmem:s17+$0x4D0]  }
0xd6: {  	v36 =	vld [tilespmem:s17+$0x4E0]  }
0xd7: {  	v35 =	vld [tilespmem:s17+$0x4F0]  }
0xd8: {  	v34 =	vld [tilespmem:s17+$0x880]  }
0xd9: {  	v33 =	vld [tilespmem:s17+$0x890]  }
0xda: {  	v32 =	vld [tilespmem:s17+$0x8A0]  }
0xdb: {  	v31 =	vld [tilespmem:s17+$0x8B0]  }
0xdc: {  	v30 =	vld [tilespmem:s17+$0x8C0]  }
0xdd: {  	v29 =	vld [tilespmem:s17+$0x8D0]  }
0xde: {  	v28 =	vld [tilespmem:s17+$0x8E0]  }
0xdf: {  	v27 =	vld [tilespmem:s17+$0x8F0]  }
0xe0: {  	v26 =	vld [tilespmem:s17+$0xC80]  }
0xe1: {  	v25 =	vld [tilespmem:s17+$0xC90]  }
0xe2: {  	v24 =	vld [tilespmem:s17+$0xCA0]  }
0xe3: {  	v23 =	vld [tilespmem:s17+$0xCB0]  }
0xe4: {  	v22 =	vld [tilespmem:s17+$0xCC0]  }
0xe5: {  	v21 =	vld [tilespmem:s17+$0xCD0]  }
0xe6: {  	v20 =	vld [tilespmem:s17+$0xCE0]  }
0xe7: {  	v19 =	vld [tilespmem:s17+$0xCF0]  }
0xe8: {  	v18 =	vld [tilespmem:s17+$0x1080]  }
0xe9: {  	v17 =	vld [tilespmem:s17+$0x1090]  }
0xea: {  	v16 =	vld [tilespmem:s17+$0x10A0]  }
0xeb: {  	v15 =	vld [tilespmem:s17+$0x10B0]  }
0xec: {  	v14 =	vld [tilespmem:s17+$0x10C0]  }
0xed: {  	v13 =	vld [tilespmem:s17+$0x10D0]  }
0xee: {  	v12 =	vld [tilespmem:s17+$0x10E0]  }
0xef: {  	v11 =	vld [tilespmem:s17+$0x10F0]  }
0xf0: {  	v10 =	vld [tilespmem:s17+$0x1480]  }
0xf1: {  	v9 =	vld [tilespmem:s17+$0x1490]  }
0xf2: {  	v8 =	vld [tilespmem:s17+$0x14A0]  }
0xf3: {  	v7 =	vld [tilespmem:s17+$0x14B0]  }
0xf4: {  	v6 =	vld [tilespmem:s17+$0x14C0]  }
0xf5: {  	v5 =	vld [tilespmem:s17+$0x14D0]  }
0xf6: {  	v4 =	vld [tilespmem:s17+$0x14E0]  }
0xf7: {  	v3 =	vld [tilespmem:s17+$0x14F0]  }
0xf8: {  	v51 =	vld [tilespmem:s17+$0xC080]  }
0xf9: {  	v52 =	vld [tilespmem:s17+$0xC090]  }
0xfa: {  	v53 =	vld [tilespmem:s17+$0xC0A0]  }
0xfb: {  	v54 =	vld [tilespmem:s17+$0xC0B0]  }
0xfc: {  	v55 =	vld [tilespmem:s17+$0xC0C0]  }
0xfd: {  	v39 =	vadd.f32 v39, v51;
	v51 =	vld [tilespmem:s17+$0xC0D0]  }
0xfe: {  	v40 =	vadd.f32 v40, v52;
	v52 =	vld [tilespmem:s17+$0xC0E0]  }
0xff: {  	[tilespmem:s17+$0xC080] =	vst v39;
	v39 =	vadd.f32 v41, v53;
	v41 =	vld [tilespmem:s17+$0xC0F0]  }
0x100: {  	[tilespmem:s17+$0xC090] =	vst v40;
	v40 =	vadd.f32 v42, v54;
	v42 =	vld [tilespmem:s17+$0xC480]  }
0x101: {  	[tilespmem:s17+$0xC0A0] =	vst v39;
	v39 =	vadd.f32 v43, v55;
	v43 =	vld [tilespmem:s17+$0xC490]  }
0x102: {  	[tilespmem:s17+$0xC0B0] =	vst v40;
	v40 =	vadd.f32 v44, v51;
	v44 =	vld [tilespmem:s17+$0xC4A0]  }
0x103: {  	[tilespmem:s17+$0xC0C0] =	vst v39;
	v39 =	vadd.f32 v45, v52;
	v45 =	vld [tilespmem:s17+$0xC4B0]  }
0x104: {  	[tilespmem:s17+$0xC0D0] =	vst v40;
	v40 =	vadd.f32 v46, v41;
	v41 =	vld [tilespmem:s17+$0xC4C0]  }
0x105: {  	[tilespmem:s17+$0xC0E0] =	vst v39;
	v39 =	vadd.f32 v47, v42;
	v42 =	vld [tilespmem:s17+$0xC4D0]  }
0x106: {  	[tilespmem:s17+$0xC0F0] =	vst v40;
	v40 =	vadd.f32 v48, v43;
	v43 =	vld [tilespmem:s17+$0xC4E0]  }
0x107: {  	[tilespmem:s17+$0xC480] =	vst v39;
	v39 =	vadd.f32 v49, v44;
	v44 =	vld [tilespmem:s17+$0xC4F0]  }
0x108: {  	[tilespmem:s17+$0xC490] =	vst v40;
	v40 =	vadd.f32 v50, v45;
	v45 =	vld [tilespmem:s17+$0xC880]  }
0x109: {  	[tilespmem:s17+$0xC4A0] =	vst v39;
	v38 =	vadd.f32 v38, v41;
	v39 =	vld [tilespmem:s17+$0xC890]  }
0x10a: {  	[tilespmem:s17+$0xC4B0] =	vst v40;
	v37 =	vadd.f32 v37, v42;
	v40 =	vld [tilespmem:s17+$0xC8A0]  }
0x10b: {  	[tilespmem:s17+$0xC4C0] =	vst v38;
	v36 =	vadd.f32 v36, v43;
	v38 =	vld [tilespmem:s17+$0xC8B0]  }
0x10c: {  	[tilespmem:s17+$0xC4D0] =	vst v37;
	v35 =	vadd.f32 v35, v44;
	v37 =	vld [tilespmem:s17+$0xC8C0]  }
0x10d: {  	[tilespmem:s17+$0xC4E0] =	vst v36;
	v34 =	vadd.f32 v34, v45;
	v36 =	vld [tilespmem:s17+$0xC8D0]  }
0x10e: {  	[tilespmem:s17+$0xC4F0] =	vst v35;
	v33 =	vadd.f32 v33, v39;
	v35 =	vld [tilespmem:s17+$0xC8E0]  }
0x10f: {  	[tilespmem:s17+$0xC880] =	vst v34;
	v32 =	vadd.f32 v32, v40;
	v34 =	vld [tilespmem:s17+$0xC8F0]  }
0x110: {  	[tilespmem:s17+$0xC890] =	vst v33;
	v31 =	vadd.f32 v31, v38;
	v33 =	vld [tilespmem:s17+$0xCC80]  }
0x111: {  	[tilespmem:s17+$0xC8A0] =	vst v32;
	v30 =	vadd.f32 v30, v37;
	v32 =	vld [tilespmem:s17+$0xCC90]  }
0x112: {  	[tilespmem:s17+$0xC8B0] =	vst v31;
	v29 =	vadd.f32 v29, v36;
	v31 =	vld [tilespmem:s17+$0xCCA0]  }
0x113: {  	[tilespmem:s17+$0xC8C0] =	vst v30;
	v28 =	vadd.f32 v28, v35;
	v30 =	vld [tilespmem:s17+$0xCCB0]  }
0x114: {  	[tilespmem:s17+$0xC8D0] =	vst v29;
	v27 =	vadd.f32 v27, v34;
	v29 =	vld [tilespmem:s17+$0xCCC0]  }
0x115: {  	[tilespmem:s17+$0xC8E0] =	vst v28;
	v26 =	vadd.f32 v26, v33;
	v28 =	vld [tilespmem:s17+$0xCCD0]  }
0x116: {  	[tilespmem:s17+$0xC8F0] =	vst v27;
	v25 =	vadd.f32 v25, v32;
	v27 =	vld [tilespmem:s17+$0xCCE0]  }
0x117: {  	[tilespmem:s17+$0xCC80] =	vst v26;
	v24 =	vadd.f32 v24, v31;
	v26 =	vld [tilespmem:s17+$0xCCF0]  }
0x118: {  	[tilespmem:s17+$0xCC90] =	vst v25;
	v23 =	vadd.f32 v23, v30;
	v25 =	vld [tilespmem:s17+$0xD080]  }
0x119: {  	[tilespmem:s17+$0xCCA0] =	vst v24;
	v22 =	vadd.f32 v22, v29;
	v24 =	vld [tilespmem:s17+$0xD090]  }
0x11a: {  	[tilespmem:s17+$0xCCB0] =	vst v23;
	v21 =	vadd.f32 v21, v28;
	v23 =	vld [tilespmem:s17+$0xD0A0]  }
0x11b: {  	[tilespmem:s17+$0xCCC0] =	vst v22;
	v20 =	vadd.f32 v20, v27;
	v22 =	vld [tilespmem:s17+$0xD0B0]  }
0x11c: {  	[tilespmem:s17+$0xCCD0] =	vst v21;
	v19 =	vadd.f32 v19, v26;
	v21 =	vld [tilespmem:s17+$0xD0C0]  }
0x11d: {  	[tilespmem:s17+$0xCCE0] =	vst v20;
	v18 =	vadd.f32 v18, v25;
	v20 =	vld [tilespmem:s17+$0xD0D0]  }
0x11e: {  	[tilespmem:s17+$0xCCF0] =	vst v19;
	v17 =	vadd.f32 v17, v24;
	v19 =	vld [tilespmem:s17+$0xD0E0]  }
.Ltmp0:
0x11f: {  	[tilespmem:s17+$0xD080] =	vst v18;
	v18 =	vadd.f32 v16, v23;
	v16 =	vld [tilespmem:s17+$0xD0F0];
	(pc) =	sbr.rel @p0 .LBB2_2-.Ltmp0, $4  }
0x120: {  	[tilespmem:s17+$0xD090] =	vst v17;
	v17 =	vadd.f32 v15, v22;
	v15 =	vld [tilespmem:s17+$0xD480]  }
0x121: {  	[tilespmem:s17+$0xD0A0] =	vst v18;
	v21 =	vadd.f32 v14, v21;
	v14 =	vld [tilespmem:s17+$0xD490]  }
0x122: {  	[tilespmem:s17+$0xD0B0] =	vst v17;
	v18 =	vadd.f32 v13, v20;
	v13 =	vld [tilespmem:s17+$0xD4A0]  }
0x123: {  	s18 =	sadd.s32 $0x1, s18;
	[tilespmem:s17+$0xD0C0] =	vst v21;
	v17 =	vadd.f32 v12, v19;
	v12 =	vld [tilespmem:s17+$0xD4B0]  }
0x124: {  	[tilespmem:s17+$0xD0D0] =	vst v18;
	v60 =	vld [tilespmem:s17+$0xD4C0];
	v11 =	vadd.f32 v11, v16  }
0x125: {  	v61 =	vld [tilespmem:s17+$0xD4D0];
	[tilespmem:s17+$0xD0E0] =	vst v17;
	v10 =	vadd.f32 v10, v15  }
0x126: {  	v62 =	vld [tilespmem:s17+$0xD4E0];
	[tilespmem:s17+$0xD0F0] =	vst v11;
	v9 =	vadd.f32 v9, v14  }
0x127: {  	v63 =	vld [tilespmem:s17+$0xD4F0];
	[tilespmem:s17+$0xD480] =	vst v10;
	v8 =	vadd.f32 v8, v13  }
0x128: {  	[tilespmem:s17+$0xD490] =	vst v9;
	v7 =	vadd.f32 v7, v12  }
0x129: {  	[tilespmem:s17+$0xD4A0] =	vst v8;
	v6 =	vadd.f32 v6, v60  }
0x12a: {  	v5 =	vadd.f32 v5, v61;
	[tilespmem:s17+$0xD4B0] =	vst v7  }
0x12b: {  	v4 =	vadd.f32 v4, v62;
	[tilespmem:s17+$0xD4C0] =	vst v6  }
0x12c: {  	s16 =	sadd.s32 $0x1, s16;
	v3 =	vadd.f32 v3, v63;
	[tilespmem:s17+$0xD4D0] =	vst v5  }
0x12d: {  	p0 =	sne.s32 s16, s9;
	[tilespmem:s17+$0xD4E0] =	vst v4  }
.Ltmp1:
0x12e: {  	[tilespmem:s17+$0xD4F0] =	vst v3;
	(pc) =	sbr.rel @p0 .LBB2_1-.Ltmp1, $4  }
0x12f: {  	[hbm4b:s8+s2] =	stream.linear.scatter [tilespmem:s11], [sflag:$0x2], $0xC000, $0x38;
	[tilespmem:$0x18080] =	vst v63  }
0x130: {  	_ =	swait.ge [sflag:s10], $0xC000  }
0x131: {  	[sflag:s10] =	ssyncset.done $0x0  }
0x132: {  	[sflag:s10] =	ssyncadd.s32 $0xFFFF4000  }
0x133: {  	_ =	sfence.sel $0x180000  }
0x134: {  	[bflag:$0x0] =	sbarrier.arrive $0xFFFF  }
0x135: {  	_ =	strace $0x9000004A  }
0x136: {  	s0 =	stileid.u32;
	[bflag:$0x2] =	sbarrier.arrive $0xFFFF  }
0x137: {  	p0 =	sne.s32 s0, $0x0;
	s0 =	rddreg [dreg:$0x3]  }
0x138: {  	s0 =	sadd.s32 @!p0 $0x100000, s0  }
0x139: {  	[sflag:s0] =	ssyncadd.tile.s32 @!p0 $0x1;
	_ =	shalt  }
.Lfunc_end2:
_tile_overlayer_lowered:
.L_overlay_start_2:
0x13a: {  	(tag) =	ssettag $0x2  }
0x13b: {  	s0 =	rddreg [dreg:$0x0];
	s2 =	stileid.u32  }
0x13c: {  	s1 =	rddreg [dreg:$0x1];
	p0 =	sne.s32 s2, $0x0  }
0x13d: {  	s3 =	rddreg [dreg:$0x2];
	[bflag:$0x3] =	sbarrier.arrive $0xFFFF;
	s2 =	simm.s32 @!p0 $0x1C02  }
0x13e: {  	[timem:s3], [sflag:s2] =	dma.local @!p0 [hbm:s0], s1  }
0x13f: {  	s0 =	simm.s32 @!p0 $0x2  }
0x140: {  	_ =	swait.ge @!p0 [sflag:s0], s1  }
0x141: {  	s1 =	ssub.s32 @!p0 $0x0, s1;
	[sflag:s0] =	ssyncset.done @!p0 $0x0  }
0x142: {  	[sflag:s0] =	ssyncadd.s32 @!p0 s1  }
0x143: {  	[bflag:$0x3] =	sbarrier.arrive $0xFFFF  }
0x144: {  	_ =	shalt  }

</sc_bundles>
